<compile_context>
chip_gen: v7x
topology: tpu7x:2x2x1
jax: 0.10.2.dev20260603
libtpu: 0.0.44.dev20260713+nightly
codegen_flags: <defaults>
</compile_context>

<pallas_src>
import functools

import jax
import jax.numpy as jnp
from jax import lax
from jax.experimental import pallas as pl
from jax.experimental.pallas import tpu as pltpu
from jax.experimental.pallas import tpu_sc as plsc

N = 10000
E = 320000
D = 128

NC = 2
NS = 16
NW = NC * NS
EPW = E // NW

N_PAD = 10240
DNPT = N_PAD // NS
DCHUNK = 2000
DNCH = EPW // DCHUNK

CHUNK = 200
NCH = EPW // CHUNK
NPT = N_PAD // NS

_mesh = plsc.VectorSubcoreMesh(core_axis_name="c", subcore_axis_name="s")


@functools.partial(
    pl.kernel,
    mesh=_mesh,
    out_type=jax.ShapeDtypeStruct((NC, N_PAD), jnp.float32),
    scratch_types=[
        pltpu.VMEM((DCHUNK,), jnp.int32),
        pltpu.VMEM((DCHUNK,), jnp.float32),
        pltpu.VMEM_SHARED((N_PAD,), jnp.float32),
    ],
)
def _sc_degree(col_hbm, ones_hbm, zeros_hbm, out_hbm, cidx, ones_v, acc):
    c = lax.axis_index("c")
    s = lax.axis_index("s")
    wid = s * NC + c
    pltpu.sync_copy(ones_hbm, ones_v)
    pltpu.sync_copy(zeros_hbm.at[pl.ds(s * DNPT, DNPT)],
                    acc.at[pl.ds(s * DNPT, DNPT)])
    plsc.subcore_barrier()

    def body(i, carry):
        off = wid * EPW + i * DCHUNK
        pltpu.sync_copy(col_hbm.at[pl.ds(off, DCHUNK)], cidx)
        pltpu.sync_copy(ones_v, acc.at[cidx], add=True)
        return carry

    lax.fori_loop(0, DNCH, body, 0)
    plsc.subcore_barrier()
    pltpu.sync_copy(acc.at[pl.ds(s * DNPT, DNPT)],
                    out_hbm.at[c, pl.ds(s * DNPT, DNPT)])


@functools.partial(
    pl.kernel,
    mesh=_mesh,
    out_type=jax.ShapeDtypeStruct((NC, N_PAD, D), jnp.float32),
    scratch_types=[
        pltpu.VMEM((CHUNK,), jnp.int32),
        pltpu.VMEM((CHUNK,), jnp.int32),
        pltpu.VMEM((CHUNK, D), jnp.float32),
        pltpu.VMEM_SHARED((N_PAD, D), jnp.float32),
        pltpu.SemaphoreType.DMA,
    ],
)
def _sc_edge_pass(g_hbm, row_hbm, col_hbm, zeros_hbm, out_hbm,
                  ridx, cidx, buf, acc, sem):
    c = lax.axis_index("c")
    s = lax.axis_index("s")
    wid = s * NC + c
    pltpu.sync_copy(zeros_hbm.at[pl.ds(s * NPT, NPT)],
                    acc.at[pl.ds(s * NPT, NPT)])
    plsc.subcore_barrier()

    def body(i, carry):
        off = wid * EPW + i * CHUNK
        pltpu.sync_copy(row_hbm.at[pl.ds(off, CHUNK)], ridx)
        pltpu.sync_copy(col_hbm.at[pl.ds(off, CHUNK)], cidx)
        pltpu.async_copy(g_hbm.at[ridx], buf, sem).wait()
        pltpu.sync_copy(buf, acc.at[cidx], add=True)
        return carry

    lax.fori_loop(0, NCH, body, 0)
    plsc.subcore_barrier()
    pltpu.sync_copy(acc.at[pl.ds(s * NPT, NPT)],
                    out_hbm.at[c, pl.ds(s * NPT, NPT)])


def _tc_mm1(x, W1):
    def body(x_ref, w_ref, h_ref):
        h_ref[...] = jnp.dot(x_ref[...], w_ref[...],
                             preferred_element_type=jnp.float32)

    return pl.pallas_call(
        body, out_shape=jax.ShapeDtypeStruct((N, D), jnp.float32))(x, W1)


def _tc_scale1(h1, dega, degb):
    def body(h_ref, da_ref, db_ref, dis_ref, g_ref):
        deg = da_ref[...] + db_ref[...] + 1.0
        dis = lax.rsqrt(deg)
        dis_ref[...] = dis
        g_ref[...] = h_ref[...] * dis

    return pl.pallas_call(
        body,
        out_shape=(jax.ShapeDtypeStruct((N, 1), jnp.float32),
                   jax.ShapeDtypeStruct((N, D), jnp.float32)))(h1, dega, degb)


def _tc_layer2(s1a, s1b, g1, dis, b1, W2):
    def body(sa_ref, sb_ref, g_ref, dis_ref, b_ref, w_ref, g2_ref):
        z = dis_ref[...] * (sa_ref[...] + sb_ref[...] + g_ref[...]) + b_ref[...]
        z = jnp.maximum(z, 0.0)
        h2 = jnp.dot(z, w_ref[...], preferred_element_type=jnp.float32)
        g2_ref[...] = h2 * dis_ref[...]

    return pl.pallas_call(
        body,
        out_shape=jax.ShapeDtypeStruct((N, D), jnp.float32))(
            s1a, s1b, g1, dis, b1, W2)


def _tc_out(s2a, s2b, g2, dis, b2):
    def body(sa_ref, sb_ref, g_ref, dis_ref, b_ref, o_ref):
        o_ref[...] = (dis_ref[...] * (sa_ref[...] + sb_ref[...] + g_ref[...])
                      + b_ref[...])

    return pl.pallas_call(
        body,
        out_shape=jax.ShapeDtypeStruct((N, D), jnp.float32))(
            s2a, s2b, g2, dis, b2)


def kernel(x, edge_index, W1, b1, W2, b2):
    row = edge_index[0]
    col = edge_index[1]
    ones_e = jnp.ones((DCHUNK,), jnp.float32)
    zeros_1d = jnp.zeros((N_PAD,), jnp.float32)
    zeros_2d = jnp.zeros((N_PAD, D), jnp.float32)

    deg_p = _sc_degree(col, ones_e, zeros_1d)
    h1 = _tc_mm1(x, W1)
    dega = deg_p[0, :N].reshape(N, 1)
    degb = deg_p[1, :N].reshape(N, 1)
    dis, g1 = _tc_scale1(h1, dega, degb)

    s1 = _sc_edge_pass(g1, row, col, zeros_2d)
    g2 = _tc_layer2(s1[0, :N], s1[1, :N], g1, dis, b1.reshape(1, D), W2)

    s2 = _sc_edge_pass(g2, row, col, zeros_2d)
    out = _tc_out(s2[0, :N], s2[1, :N], g2, dis, b2.reshape(1, D))
    return out

# --- scband reference (transcript-rebuilt; emitter-appended) ---
"""Pipeline reference for scband-gcn-13099650253144 (READ-ONLY COPY).

The authoritative reference and input builder live on the scoring server;
editing this copy changes nothing except your own understanding.
"""

import jax, jax.numpy as jnp
import numpy as np

N = 10000
E = 320000
D_IN = 128
D_H = 128
D_OUT = 128


def setup_inputs(seed: int = 0) -> dict:
    key = jax.random.key(seed)
    ks = jax.random.split(key, 6)
    x = jax.random.normal(ks[0], (N, D_IN), dtype=jnp.float32)
    edge_index = jax.random.randint(ks[1], (2, E), 0, N, dtype=jnp.int32)
    W1 = jax.random.normal(ks[2], (D_IN, D_H), dtype=jnp.float32) * (1.0 / np.sqrt(D_IN))
    b1 = jnp.zeros((D_H,), dtype=jnp.float32)
    W2 = jax.random.normal(ks[3], (D_H, D_OUT), dtype=jnp.float32) * (1.0 / np.sqrt(D_H))
    b2 = jnp.zeros((D_OUT,), dtype=jnp.float32)
    return {"x": x, "edge_index": edge_index, "W1": W1, "b1": b1, "W2": W2, "b2": b2}


def _gcn_conv(x, edge_index, W, b):
    # Faithful PyG GCNConv: add self-loops, symmetric normalization, sum-aggregate, bias.
    n = x.shape[0]
    h = x @ W
    self_loops = jnp.arange(n, dtype=edge_index.dtype)
    row = jnp.concatenate([edge_index[0], self_loops])  # source nodes
    col = jnp.concatenate([edge_index[1], self_loops])  # destination nodes
    deg = jax.ops.segment_sum(jnp.ones(row.shape[0], dtype=h.dtype), col, num_segments=n)
    deg_inv_sqrt = jnp.where(deg > 0, 1.0 / jnp.sqrt(deg), 0.0)
    norm = deg_inv_sqrt[row] * deg_inv_sqrt[col]
    msg = h[row] * norm[:, None]
    out = jax.ops.segment_sum(msg, col, num_segments=n)
    return out + b


def reference(x, edge_index, W1, b1, W2, b2):
    h = _gcn_conv(x, edge_index, W1, b1)
    h = jax.nn.relu(h)
    out = _gcn_conv(h, edge_index, W2, b2)
    return out

if __name__ == "__main__":
    import jax
    _d = setup_inputs()
    print(jax.jit(kernel)(*tuple(_d.values())))

</pallas_src>

<mosaic_0001>
#map = affine_map<(d0, d1) -> (0, 0)>
#map1 = affine_map<(d0, d1) -> (0)>
#map2 = affine_map<(d0, d1) -> (0, 0, 0)>
module attributes {stable_mosaic.version = 14 : i64} {
  func.func @_sc_edge_pass(%arg0: i32, %arg1: i32, %arg2: memref<10000x128xf32, #tpu.memory_space<hbm>>, %arg3: memref<320000xi32, #tpu.memory_space<hbm>>, %arg4: memref<320000xi32, #tpu.memory_space<hbm>>, %arg5: memref<10240x128xf32, #tpu.memory_space<hbm>>, %arg6: memref<2x10240x128xf32, #tpu.memory_space<hbm>>, %arg7: memref<200xi32, #tpu.memory_space<vmem>>, %arg8: memref<200xi32, #tpu.memory_space<vmem>>, %arg9: memref<200x128xf32, #tpu.memory_space<vmem>>, %arg10: memref<10240x128xf32, #tpu.memory_space<vmem_shared>>, %arg11: memref<!tpu.dma_semaphore, #tpu.memory_space<semaphore_mem>>) attributes {dimension_semantics = [#tpu.dimension_semantics<core_parallel>, #tpu.dimension_semantics<subcore_parallel>], iteration_bounds = array<i64: 2, 16>, scalar_prefetch = 0 : i64, scratch_operands = 5 : i64, tpu.core_type = #tpu.core_type<sc_vector_subcore>, window_params = [{transform_indices = #map}, {transform_indices = #map1}, {transform_indices = #map1}, {transform_indices = #map}, {transform_indices = #map2}]} {
    %mul3A = arith.constant 2 : i32
    %mul3A_0 = arith.muli %arg1, %mul3A : i32
    %add3A = arith.addi %mul3A_0, %arg0 : i32
    %mul3A_1 = arith.constant 640 : i32
    %mul3A_2 = arith.muli %arg1, %mul3A_1 : i32
    %mul3A_3 = arith.constant 640 : i32
    %mul3A_4 = arith.muli %arg1, %mul3A_3 : i32
    "tpu.region"() ({
      %run_scoped3A = tpu.sem_alloc : memref<!tpu.dma_semaphore, #tpu.memory_space<semaphore_mem>>
      %dma_start3A = arith.constant 0 : i32
      %dma_start3A_15 = tpu.memref_slice %arg10[%mul3A_4, %dma_start3A] : memref<10240x128xf32, #tpu.memory_space<vmem_shared>> -> memref<640x128xf32, #tpu.memory_space<vmem_shared>>
      %dma_start3A_16 = arith.constant 0 : i32
      %dma_start3A_17 = tpu.memref_slice %arg5[%mul3A_2, %dma_start3A_16] : memref<10240x128xf32, #tpu.memory_space<hbm>> -> memref<640x128xf32, #tpu.memory_space<hbm>>
      tpu.enqueue_dma source(%dma_start3A_17 : memref<640x128xf32, #tpu.memory_space<hbm>>) target(%dma_start3A_15 : memref<640x128xf32, #tpu.memory_space<vmem_shared>>) target_semaphore(%run_scoped3A : memref<!tpu.dma_semaphore, #tpu.memory_space<semaphore_mem>>)
      %dma_wait3A = arith.constant 0 : i32
      %dma_wait3A_18 = tpu.memref_slice %arg10[%mul3A_4, %dma_wait3A] : memref<10240x128xf32, #tpu.memory_space<vmem_shared>> -> memref<640x128xf32, #tpu.memory_space<vmem_shared>>
      %dma_wait3A_19 = arith.constant 0 : i32
      %dma_wait3A_20 = tpu.memref_slice %arg5[%mul3A_2, %dma_wait3A_19] : memref<10240x128xf32, #tpu.memory_space<hbm>> -> memref<640x128xf32, #tpu.memory_space<hbm>>
      tpu.wait_dma2 semaphore(%run_scoped3A : memref<!tpu.dma_semaphore, #tpu.memory_space<semaphore_mem>>) src(%dma_wait3A_20 : memref<640x128xf32, #tpu.memory_space<hbm>>) dst(%dma_wait3A_18 : memref<640x128xf32, #tpu.memory_space<vmem_shared>>)
      tpu.yield
    }) : () -> ()
    %barrier3A = arith.constant 0 : index
    tpu.barrier barrier_id(%barrier3A)
    %scan3A = arith.constant 0 : i32
    %scan3A_5 = arith.constant 0 : i32
    %scan3A_6 = arith.constant 50 : i32
    %scan3A_7 = arith.addi %scan3A_5, %scan3A_6 : i32
    %scan3A_8 = arith.constant 1 : i32
    scf.for %scan3A_15 = %scan3A_5 to %scan3A_7 step %scan3A_8  : i32 {
      %mul3A_16 = arith.constant 10000 : i32
      %mul3A_17 = arith.muli %add3A, %mul3A_16 : i32
      %mul3A_18 = arith.constant 200 : i32
      %mul3A_19 = arith.muli %scan3A_15, %mul3A_18 : i32
      %add3A_20 = arith.addi %mul3A_17, %mul3A_19 : i32
      "tpu.region"() ({
        %run_scoped3A = tpu.sem_alloc : memref<!tpu.dma_semaphore, #tpu.memory_space<semaphore_mem>>
        %dma_start3A_25 = tpu.memref_slice %arg3[%add3A_20] : memref<320000xi32, #tpu.memory_space<hbm>> -> memref<200xi32, #tpu.memory_space<hbm>>
        %dma_start3A_26 = tpu.memref_slice %arg3[%add3A_20] : memref<320000xi32, #tpu.memory_space<hbm>> -> memref<200xi32, #tpu.memory_space<hbm>>
        tpu.enqueue_dma source(%dma_start3A_26 : memref<200xi32, #tpu.memory_space<hbm>>) target(%arg7 : memref<200xi32, #tpu.memory_space<vmem>>) target_semaphore(%run_scoped3A : memref<!tpu.dma_semaphore, #tpu.memory_space<semaphore_mem>>)
        %dma_wait3A_27 = tpu.memref_slice %arg3[%add3A_20] : memref<320000xi32, #tpu.memory_space<hbm>> -> memref<200xi32, #tpu.memory_space<hbm>>
        %dma_wait3A_28 = tpu.memref_slice %arg3[%add3A_20] : memref<320000xi32, #tpu.memory_space<hbm>> -> memref<200xi32, #tpu.memory_space<hbm>>
        tpu.wait_dma2 semaphore(%run_scoped3A : memref<!tpu.dma_semaphore, #tpu.memory_space<semaphore_mem>>) src(%dma_wait3A_28 : memref<200xi32, #tpu.memory_space<hbm>>) dst(%arg7 : memref<200xi32, #tpu.memory_space<vmem>>)
        tpu.yield
      }) : () -> ()
      "tpu.region"() ({
        %run_scoped3A = tpu.sem_alloc : memref<!tpu.dma_semaphore, #tpu.memory_space<semaphore_mem>>
        %dma_start3A_25 = tpu.memref_slice %arg4[%add3A_20] : memref<320000xi32, #tpu.memory_space<hbm>> -> memref<200xi32, #tpu.memory_space<hbm>>
        %dma_start3A_26 = tpu.memref_slice %arg4[%add3A_20] : memref<320000xi32, #tpu.memory_space<hbm>> -> memref<200xi32, #tpu.memory_space<hbm>>
        tpu.enqueue_dma source(%dma_start3A_26 : memref<200xi32, #tpu.memory_space<hbm>>) target(%arg8 : memref<200xi32, #tpu.memory_space<vmem>>) target_semaphore(%run_scoped3A : memref<!tpu.dma_semaphore, #tpu.memory_space<semaphore_mem>>)
        %dma_wait3A_27 = tpu.memref_slice %arg4[%add3A_20] : memref<320000xi32, #tpu.memory_space<hbm>> -> memref<200xi32, #tpu.memory_space<hbm>>
        %dma_wait3A_28 = tpu.memref_slice %arg4[%add3A_20] : memref<320000xi32, #tpu.memory_space<hbm>> -> memref<200xi32, #tpu.memory_space<hbm>>
        tpu.wait_dma2 semaphore(%run_scoped3A : memref<!tpu.dma_semaphore, #tpu.memory_space<semaphore_mem>>) src(%dma_wait3A_28 : memref<200xi32, #tpu.memory_space<hbm>>) dst(%arg8 : memref<200xi32, #tpu.memory_space<vmem>>)
        tpu.yield
      }) : () -> ()
      %dma_start3A = arith.constant 0 : i32
      %dma_start3A_21 = arith.constant 0 : i32
      %dma_start3A_22 = tpu.memref_slice %arg2[%dma_start3A, %dma_start3A_21] : memref<10000x128xf32, #tpu.memory_space<hbm>> -> memref<10000x128xf32, #tpu.memory_space<hbm>>
      tpu.enqueue_indirect_dma source(%dma_start3A_22 : memref<10000x128xf32, #tpu.memory_space<hbm>>) target(%arg9 : memref<200x128xf32, #tpu.memory_space<vmem>>) offsets(%arg7 : memref<200xi32, #tpu.memory_space<vmem>>) semaphore(%arg11 : memref<!tpu.dma_semaphore, #tpu.memory_space<semaphore_mem>>)
      %dma_wait3A = arith.constant 0 : i32
      %dma_wait3A_23 = arith.constant 0 : i32
      %dma_wait3A_24 = tpu.memref_slice %arg2[%dma_wait3A, %dma_wait3A_23] : memref<10000x128xf32, #tpu.memory_space<hbm>> -> memref<10000x128xf32, #tpu.memory_space<hbm>>
      tpu.wait_indirect_dma semaphore(%arg11 : memref<!tpu.dma_semaphore, #tpu.memory_space<semaphore_mem>>) src(%dma_wait3A_24 : memref<10000x128xf32, #tpu.memory_space<hbm>>) dst(%arg9 : memref<200x128xf32, #tpu.memory_space<vmem>>)
      "tpu.region"() ({
        %run_scoped3A = tpu.sem_alloc : memref<!tpu.dma_semaphore, #tpu.memory_space<semaphore_mem>>
        %dma_start3A_25 = arith.constant 0 : i32
        %dma_start3A_26 = arith.constant 0 : i32
        %dma_start3A_27 = tpu.memref_slice %arg10[%dma_start3A_25, %dma_start3A_26] : memref<10240x128xf32, #tpu.memory_space<vmem_shared>> -> memref<10240x128xf32, #tpu.memory_space<vmem_shared>>
        tpu.enqueue_indirect_dma source(%arg9 : memref<200x128xf32, #tpu.memory_space<vmem>>) target(%dma_start3A_27 : memref<10240x128xf32, #tpu.memory_space<vmem_shared>>) offsets(%arg8 : memref<200xi32, #tpu.memory_space<vmem>>) semaphore(%run_scoped3A : memref<!tpu.dma_semaphore, #tpu.memory_space<semaphore_mem>>) {add = true}
        %dma_wait3A_28 = arith.constant 0 : i32
        %dma_wait3A_29 = arith.constant 0 : i32
        %dma_wait3A_30 = tpu.memref_slice %arg10[%dma_wait3A_28, %dma_wait3A_29] : memref<10240x128xf32, #tpu.memory_space<vmem_shared>> -> memref<10240x128xf32, #tpu.memory_space<vmem_shared>>
        tpu.wait_indirect_dma semaphore(%run_scoped3A : memref<!tpu.dma_semaphore, #tpu.memory_space<semaphore_mem>>) src(%arg9 : memref<200x128xf32, #tpu.memory_space<vmem>>) dst(%dma_wait3A_30 : memref<10240x128xf32, #tpu.memory_space<vmem_shared>>)
        tpu.yield
      }) : () -> ()
    }
    %scan3A_9 = arith.constant 50 : i32
    %barrier3A_10 = arith.constant 0 : index
    tpu.barrier barrier_id(%barrier3A_10)
    %mul3A_11 = arith.constant 640 : i32
    %mul3A_12 = arith.muli %arg1, %mul3A_11 : i32
    %mul3A_13 = arith.constant 640 : i32
    %mul3A_14 = arith.muli %arg1, %mul3A_13 : i32
    "tpu.region"() ({
      %run_scoped3A = tpu.sem_alloc : memref<!tpu.dma_semaphore, #tpu.memory_space<semaphore_mem>>
      %dma_start3A = arith.constant 0 : i32
      %dma_start3A_15 = tpu.memref_slice %arg6[%arg0, %mul3A_14, %dma_start3A] : memref<2x10240x128xf32, #tpu.memory_space<hbm>> -> memref<1x640x128xf32, #tpu.memory_space<hbm>>
      %dma_start3A_16 = tpu.memref_squeeze %dma_start3A_15 : memref<1x640x128xf32, #tpu.memory_space<hbm>> -> memref<640x128xf32, #tpu.memory_space<hbm>>
      %dma_start3A_17 = arith.constant 0 : i32
      %dma_start3A_18 = tpu.memref_slice %arg10[%mul3A_12, %dma_start3A_17] : memref<10240x128xf32, #tpu.memory_space<vmem_shared>> -> memref<640x128xf32, #tpu.memory_space<vmem_shared>>
      tpu.enqueue_dma source(%dma_start3A_18 : memref<640x128xf32, #tpu.memory_space<vmem_shared>>) target(%dma_start3A_16 : memref<640x128xf32, #tpu.memory_space<hbm>>) target_semaphore(%run_scoped3A : memref<!tpu.dma_semaphore, #tpu.memory_space<semaphore_mem>>)
      %dma_wait3A = arith.constant 0 : i32
      %dma_wait3A_19 = tpu.memref_slice %arg6[%arg0, %mul3A_14, %dma_wait3A] : memref<2x10240x128xf32, #tpu.memory_space<hbm>> -> memref<1x640x128xf32, #tpu.memory_space<hbm>>
      %dma_wait3A_20 = tpu.memref_squeeze %dma_wait3A_19 : memref<1x640x128xf32, #tpu.memory_space<hbm>> -> memref<640x128xf32, #tpu.memory_space<hbm>>
      %dma_wait3A_21 = arith.constant 0 : i32
      %dma_wait3A_22 = tpu.memref_slice %arg10[%mul3A_12, %dma_wait3A_21] : memref<10240x128xf32, #tpu.memory_space<vmem_shared>> -> memref<640x128xf32, #tpu.memory_space<vmem_shared>>
      tpu.wait_dma2 semaphore(%run_scoped3A : memref<!tpu.dma_semaphore, #tpu.memory_space<semaphore_mem>>) src(%dma_wait3A_22 : memref<640x128xf32, #tpu.memory_space<vmem_shared>>) dst(%dma_wait3A_20 : memref<640x128xf32, #tpu.memory_space<hbm>>)
      tpu.yield
    }) : () -> ()
    return
  }
}

#map = affine_map<(d0, d1) -> (0)>
#map1 = affine_map<(d0, d1) -> (0, 0)>
module attributes {stable_mosaic.version = 14 : i64} {
  func.func @_sc_degree(%arg0: i32, %arg1: i32, %arg2: memref<320000xi32, #tpu.memory_space<hbm>>, %arg3: memref<2000xf32, #tpu.memory_space<hbm>>, %arg4: memref<10240xf32, #tpu.memory_space<hbm>>, %arg5: memref<2x10240xf32, #tpu.memory_space<hbm>>, %arg6: memref<2000xi32, #tpu.memory_space<vmem>>, %arg7: memref<2000xf32, #tpu.memory_space<vmem>>, %arg8: memref<10240xf32, #tpu.memory_space<vmem_shared>>) attributes {dimension_semantics = [#tpu.dimension_semantics<core_parallel>, #tpu.dimension_semantics<subcore_parallel>], iteration_bounds = array<i64: 2, 16>, scalar_prefetch = 0 : i64, scratch_operands = 3 : i64, tpu.core_type = #tpu.core_type<sc_vector_subcore>, window_params = [{transform_indices = #map}, {transform_indices = #map}, {transform_indices = #map}, {transform_indices = #map1}]} {
    %mul3A = arith.constant 2 : i32
    %mul3A_0 = arith.muli %arg1, %mul3A : i32
    %add3A = arith.addi %mul3A_0, %arg0 : i32
    "tpu.region"() ({
      %run_scoped3A = tpu.sem_alloc : memref<!tpu.dma_semaphore, #tpu.memory_space<semaphore_mem>>
      tpu.enqueue_dma source(%arg3 : memref<2000xf32, #tpu.memory_space<hbm>>) target(%arg7 : memref<2000xf32, #tpu.memory_space<vmem>>) target_semaphore(%run_scoped3A : memref<!tpu.dma_semaphore, #tpu.memory_space<semaphore_mem>>)
      tpu.wait_dma2 semaphore(%run_scoped3A : memref<!tpu.dma_semaphore, #tpu.memory_space<semaphore_mem>>) src(%arg3 : memref<2000xf32, #tpu.memory_space<hbm>>) dst(%arg7 : memref<2000xf32, #tpu.memory_space<vmem>>)
      tpu.yield
    }) : () -> ()
    %mul3A_1 = arith.constant 640 : i32
    %mul3A_2 = arith.muli %arg1, %mul3A_1 : i32
    %mul3A_3 = arith.constant 640 : i32
    %mul3A_4 = arith.muli %arg1, %mul3A_3 : i32
    "tpu.region"() ({
      %run_scoped3A = tpu.sem_alloc : memref<!tpu.dma_semaphore, #tpu.memory_space<semaphore_mem>>
      %dma_start3A = tpu.memref_slice %arg8[%mul3A_4] : memref<10240xf32, #tpu.memory_space<vmem_shared>> -> memref<640xf32, #tpu.memory_space<vmem_shared>>
      %dma_start3A_15 = tpu.memref_slice %arg4[%mul3A_2] : memref<10240xf32, #tpu.memory_space<hbm>> -> memref<640xf32, #tpu.memory_space<hbm>>
      tpu.enqueue_dma source(%dma_start3A_15 : memref<640xf32, #tpu.memory_space<hbm>>) target(%dma_start3A : memref<640xf32, #tpu.memory_space<vmem_shared>>) target_semaphore(%run_scoped3A : memref<!tpu.dma_semaphore, #tpu.memory_space<semaphore_mem>>)
      %dma_wait3A = tpu.memref_slice %arg8[%mul3A_4] : memref<10240xf32, #tpu.memory_space<vmem_shared>> -> memref<640xf32, #tpu.memory_space<vmem_shared>>
      %dma_wait3A_16 = tpu.memref_slice %arg4[%mul3A_2] : memref<10240xf32, #tpu.memory_space<hbm>> -> memref<640xf32, #tpu.memory_space<hbm>>
      tpu.wait_dma2 semaphore(%run_scoped3A : memref<!tpu.dma_semaphore, #tpu.memory_space<semaphore_mem>>) src(%dma_wait3A_16 : memref<640xf32, #tpu.memory_space<hbm>>) dst(%dma_wait3A : memref<640xf32, #tpu.memory_space<vmem_shared>>)
      tpu.yield
    }) : () -> ()
    %barrier3A = arith.constant 0 : index
    tpu.barrier barrier_id(%barrier3A)
    %scan3A = arith.constant 0 : i32
    %scan3A_5 = arith.constant 0 : i32
    %scan3A_6 = arith.constant 5 : i32
    %scan3A_7 = arith.addi %scan3A_5, %scan3A_6 : i32
    %scan3A_8 = arith.constant 1 : i32
    scf.for %scan3A_15 = %scan3A_5 to %scan3A_7 step %scan3A_8  : i32 {
      %mul3A_16 = arith.constant 10000 : i32
      %mul3A_17 = arith.muli %add3A, %mul3A_16 : i32
      %mul3A_18 = arith.constant 2000 : i32
      %mul3A_19 = arith.muli %scan3A_15, %mul3A_18 : i32
      %add3A_20 = arith.addi %mul3A_17, %mul3A_19 : i32
      "tpu.region"() ({
        %run_scoped3A = tpu.sem_alloc : memref<!tpu.dma_semaphore, #tpu.memory_space<semaphore_mem>>
        %dma_start3A = tpu.memref_slice %arg2[%add3A_20] : memref<320000xi32, #tpu.memory_space<hbm>> -> memref<2000xi32, #tpu.memory_space<hbm>>
        %dma_start3A_21 = tpu.memref_slice %arg2[%add3A_20] : memref<320000xi32, #tpu.memory_space<hbm>> -> memref<2000xi32, #tpu.memory_space<hbm>>
        tpu.enqueue_dma source(%dma_start3A_21 : memref<2000xi32, #tpu.memory_space<hbm>>) target(%arg6 : memref<2000xi32, #tpu.memory_space<vmem>>) target_semaphore(%run_scoped3A : memref<!tpu.dma_semaphore, #tpu.memory_space<semaphore_mem>>)
        %dma_wait3A = tpu.memref_slice %arg2[%add3A_20] : memref<320000xi32, #tpu.memory_space<hbm>> -> memref<2000xi32, #tpu.memory_space<hbm>>
        %dma_wait3A_22 = tpu.memref_slice %arg2[%add3A_20] : memref<320000xi32, #tpu.memory_space<hbm>> -> memref<2000xi32, #tpu.memory_space<hbm>>
        tpu.wait_dma2 semaphore(%run_scoped3A : memref<!tpu.dma_semaphore, #tpu.memory_space<semaphore_mem>>) src(%dma_wait3A_22 : memref<2000xi32, #tpu.memory_space<hbm>>) dst(%arg6 : memref<2000xi32, #tpu.memory_space<vmem>>)
        tpu.yield
      }) : () -> ()
      "tpu.region"() ({
        %run_scoped3A = tpu.sem_alloc : memref<!tpu.dma_semaphore, #tpu.memory_space<semaphore_mem>>
        %dma_start3A = arith.constant 0 : i32
        %dma_start3A_21 = tpu.memref_slice %arg8[%dma_start3A] : memref<10240xf32, #tpu.memory_space<vmem_shared>> -> memref<10240xf32, #tpu.memory_space<vmem_shared>>
        tpu.enqueue_indirect_dma source(%arg7 : memref<2000xf32, #tpu.memory_space<vmem>>) target(%dma_start3A_21 : memref<10240xf32, #tpu.memory_space<vmem_shared>>) offsets(%arg6 : memref<2000xi32, #tpu.memory_space<vmem>>) semaphore(%run_scoped3A : memref<!tpu.dma_semaphore, #tpu.memory_space<semaphore_mem>>) {add = true}
        %dma_wait3A = arith.constant 0 : i32
        %dma_wait3A_22 = tpu.memref_slice %arg8[%dma_wait3A] : memref<10240xf32, #tpu.memory_space<vmem_shared>> -> memref<10240xf32, #tpu.memory_space<vmem_shared>>
        tpu.wait_indirect_dma semaphore(%run_scoped3A : memref<!tpu.dma_semaphore, #tpu.memory_space<semaphore_mem>>) src(%arg7 : memref<2000xf32, #tpu.memory_space<vmem>>) dst(%dma_wait3A_22 : memref<10240xf32, #tpu.memory_space<vmem_shared>>)
        tpu.yield
      }) : () -> ()
    }
    %scan3A_9 = arith.constant 5 : i32
    %barrier3A_10 = arith.constant 0 : index
    tpu.barrier barrier_id(%barrier3A_10)
    %mul3A_11 = arith.constant 640 : i32
    %mul3A_12 = arith.muli %arg1, %mul3A_11 : i32
    %mul3A_13 = arith.constant 640 : i32
    %mul3A_14 = arith.muli %arg1, %mul3A_13 : i32
    "tpu.region"() ({
      %run_scoped3A = tpu.sem_alloc : memref<!tpu.dma_semaphore, #tpu.memory_space<semaphore_mem>>
      %dma_start3A = tpu.memref_slice %arg5[%arg0, %mul3A_14] : memref<2x10240xf32, #tpu.memory_space<hbm>> -> memref<1x640xf32, #tpu.memory_space<hbm>>
      %dma_start3A_15 = tpu.memref_squeeze %dma_start3A : memref<1x640xf32, #tpu.memory_space<hbm>> -> memref<640xf32, #tpu.memory_space<hbm>>
      %dma_start3A_16 = tpu.memref_slice %arg8[%mul3A_12] : memref<10240xf32, #tpu.memory_space<vmem_shared>> -> memref<640xf32, #tpu.memory_space<vmem_shared>>
      tpu.enqueue_dma source(%dma_start3A_16 : memref<640xf32, #tpu.memory_space<vmem_shared>>) target(%dma_start3A_15 : memref<640xf32, #tpu.memory_space<hbm>>) target_semaphore(%run_scoped3A : memref<!tpu.dma_semaphore, #tpu.memory_space<semaphore_mem>>)
      %dma_wait3A = tpu.memref_slice %arg5[%arg0, %mul3A_14] : memref<2x10240xf32, #tpu.memory_space<hbm>> -> memref<1x640xf32, #tpu.memory_space<hbm>>
      %dma_wait3A_17 = tpu.memref_squeeze %dma_wait3A : memref<1x640xf32, #tpu.memory_space<hbm>> -> memref<640xf32, #tpu.memory_space<hbm>>
      %dma_wait3A_18 = tpu.memref_slice %arg8[%mul3A_12] : memref<10240xf32, #tpu.memory_space<vmem_shared>> -> memref<640xf32, #tpu.memory_space<vmem_shared>>
      tpu.wait_dma2 semaphore(%run_scoped3A : memref<!tpu.dma_semaphore, #tpu.memory_space<semaphore_mem>>) src(%dma_wait3A_18 : memref<640xf32, #tpu.memory_space<vmem_shared>>) dst(%dma_wait3A_17 : memref<640xf32, #tpu.memory_space<hbm>>)
      tpu.yield
    }) : () -> ()
    return
  }
}

#map = affine_map<(d0, d1) -> (0, 0)>
#map1 = affine_map<(d0, d1) -> (0)>
#map2 = affine_map<(d0, d1) -> (0, 0, 0)>
module attributes {stable_mosaic.version = 14 : i64} {
  func.func @_sc_edge_pass(%arg0: i32, %arg1: i32, %arg2: memref<10000x128xf32, #tpu.memory_space<hbm>>, %arg3: memref<320000xi32, #tpu.memory_space<hbm>>, %arg4: memref<320000xi32, #tpu.memory_space<hbm>>, %arg5: memref<10240x128xf32, #tpu.memory_space<hbm>>, %arg6: memref<2x10240x128xf32, #tpu.memory_space<hbm>>, %arg7: memref<200xi32, #tpu.memory_space<vmem>>, %arg8: memref<200xi32, #tpu.memory_space<vmem>>, %arg9: memref<200x128xf32, #tpu.memory_space<vmem>>, %arg10: memref<10240x128xf32, #tpu.memory_space<vmem_shared>>, %arg11: memref<!tpu.dma_semaphore, #tpu.memory_space<semaphore_mem>>) attributes {dimension_semantics = [#tpu.dimension_semantics<core_parallel>, #tpu.dimension_semantics<subcore_parallel>], iteration_bounds = array<i64: 2, 16>, scalar_prefetch = 0 : i64, scratch_operands = 5 : i64, tpu.core_type = #tpu.core_type<sc_vector_subcore>, window_params = [{transform_indices = #map}, {transform_indices = #map1}, {transform_indices = #map1}, {transform_indices = #map}, {transform_indices = #map2}]} {
    %mul3A = arith.constant 2 : i32
    %mul3A_0 = arith.muli %arg1, %mul3A : i32
    %add3A = arith.addi %mul3A_0, %arg0 : i32
    %mul3A_1 = arith.constant 640 : i32
    %mul3A_2 = arith.muli %arg1, %mul3A_1 : i32
    %mul3A_3 = arith.constant 640 : i32
    %mul3A_4 = arith.muli %arg1, %mul3A_3 : i32
    "tpu.region"() ({
      %run_scoped3A = tpu.sem_alloc : memref<!tpu.dma_semaphore, #tpu.memory_space<semaphore_mem>>
      %dma_start3A = arith.constant 0 : i32
      %dma_start3A_15 = tpu.memref_slice %arg10[%mul3A_4, %dma_start3A] : memref<10240x128xf32, #tpu.memory_space<vmem_shared>> -> memref<640x128xf32, #tpu.memory_space<vmem_shared>>
      %dma_start3A_16 = arith.constant 0 : i32
      %dma_start3A_17 = tpu.memref_slice %arg5[%mul3A_2, %dma_start3A_16] : memref<10240x128xf32, #tpu.memory_space<hbm>> -> memref<640x128xf32, #tpu.memory_space<hbm>>
      tpu.enqueue_dma source(%dma_start3A_17 : memref<640x128xf32, #tpu.memory_space<hbm>>) target(%dma_start3A_15 : memref<640x128xf32, #tpu.memory_space<vmem_shared>>) target_semaphore(%run_scoped3A : memref<!tpu.dma_semaphore, #tpu.memory_space<semaphore_mem>>)
      %dma_wait3A = arith.constant 0 : i32
      %dma_wait3A_18 = tpu.memref_slice %arg10[%mul3A_4, %dma_wait3A] : memref<10240x128xf32, #tpu.memory_space<vmem_shared>> -> memref<640x128xf32, #tpu.memory_space<vmem_shared>>
      %dma_wait3A_19 = arith.constant 0 : i32
      %dma_wait3A_20 = tpu.memref_slice %arg5[%mul3A_2, %dma_wait3A_19] : memref<10240x128xf32, #tpu.memory_space<hbm>> -> memref<640x128xf32, #tpu.memory_space<hbm>>
      tpu.wait_dma2 semaphore(%run_scoped3A : memref<!tpu.dma_semaphore, #tpu.memory_space<semaphore_mem>>) src(%dma_wait3A_20 : memref<640x128xf32, #tpu.memory_space<hbm>>) dst(%dma_wait3A_18 : memref<640x128xf32, #tpu.memory_space<vmem_shared>>)
      tpu.yield
    }) : () -> ()
    %barrier3A = arith.constant 0 : index
    tpu.barrier barrier_id(%barrier3A)
    %scan3A = arith.constant 0 : i32
    %scan3A_5 = arith.constant 0 : i32
    %scan3A_6 = arith.constant 50 : i32
    %scan3A_7 = arith.addi %scan3A_5, %scan3A_6 : i32
    %scan3A_8 = arith.constant 1 : i32
    scf.for %scan3A_15 = %scan3A_5 to %scan3A_7 step %scan3A_8  : i32 {
      %mul3A_16 = arith.constant 10000 : i32
      %mul3A_17 = arith.muli %add3A, %mul3A_16 : i32
      %mul3A_18 = arith.constant 200 : i32
      %mul3A_19 = arith.muli %scan3A_15, %mul3A_18 : i32
      %add3A_20 = arith.addi %mul3A_17, %mul3A_19 : i32
      "tpu.region"() ({
        %run_scoped3A = tpu.sem_alloc : memref<!tpu.dma_semaphore, #tpu.memory_space<semaphore_mem>>
        %dma_start3A_25 = tpu.memref_slice %arg3[%add3A_20] : memref<320000xi32, #tpu.memory_space<hbm>> -> memref<200xi32, #tpu.memory_space<hbm>>
        %dma_start3A_26 = tpu.memref_slice %arg3[%add3A_20] : memref<320000xi32, #tpu.memory_space<hbm>> -> memref<200xi32, #tpu.memory_space<hbm>>
        tpu.enqueue_dma source(%dma_start3A_26 : memref<200xi32, #tpu.memory_space<hbm>>) target(%arg7 : memref<200xi32, #tpu.memory_space<vmem>>) target_semaphore(%run_scoped3A : memref<!tpu.dma_semaphore, #tpu.memory_space<semaphore_mem>>)
        %dma_wait3A_27 = tpu.memref_slice %arg3[%add3A_20] : memref<320000xi32, #tpu.memory_space<hbm>> -> memref<200xi32, #tpu.memory_space<hbm>>
        %dma_wait3A_28 = tpu.memref_slice %arg3[%add3A_20] : memref<320000xi32, #tpu.memory_space<hbm>> -> memref<200xi32, #tpu.memory_space<hbm>>
        tpu.wait_dma2 semaphore(%run_scoped3A : memref<!tpu.dma_semaphore, #tpu.memory_space<semaphore_mem>>) src(%dma_wait3A_28 : memref<200xi32, #tpu.memory_space<hbm>>) dst(%arg7 : memref<200xi32, #tpu.memory_space<vmem>>)
        tpu.yield
      }) : () -> ()
      "tpu.region"() ({
        %run_scoped3A = tpu.sem_alloc : memref<!tpu.dma_semaphore, #tpu.memory_space<semaphore_mem>>
        %dma_start3A_25 = tpu.memref_slice %arg4[%add3A_20] : memref<320000xi32, #tpu.memory_space<hbm>> -> memref<200xi32, #tpu.memory_space<hbm>>
        %dma_start3A_26 = tpu.memref_slice %arg4[%add3A_20] : memref<320000xi32, #tpu.memory_space<hbm>> -> memref<200xi32, #tpu.memory_space<hbm>>
        tpu.enqueue_dma source(%dma_start3A_26 : memref<200xi32, #tpu.memory_space<hbm>>) target(%arg8 : memref<200xi32, #tpu.memory_space<vmem>>) target_semaphore(%run_scoped3A : memref<!tpu.dma_semaphore, #tpu.memory_space<semaphore_mem>>)
        %dma_wait3A_27 = tpu.memref_slice %arg4[%add3A_20] : memref<320000xi32, #tpu.memory_space<hbm>> -> memref<200xi32, #tpu.memory_space<hbm>>
        %dma_wait3A_28 = tpu.memref_slice %arg4[%add3A_20] : memref<320000xi32, #tpu.memory_space<hbm>> -> memref<200xi32, #tpu.memory_space<hbm>>
        tpu.wait_dma2 semaphore(%run_scoped3A : memref<!tpu.dma_semaphore, #tpu.memory_space<semaphore_mem>>) src(%dma_wait3A_28 : memref<200xi32, #tpu.memory_space<hbm>>) dst(%arg8 : memref<200xi32, #tpu.memory_space<vmem>>)
        tpu.yield
      }) : () -> ()
      %dma_start3A = arith.constant 0 : i32
      %dma_start3A_21 = arith.constant 0 : i32
      %dma_start3A_22 = tpu.memref_slice %arg2[%dma_start3A, %dma_start3A_21] : memref<10000x128xf32, #tpu.memory_space<hbm>> -> memref<10000x128xf32, #tpu.memory_space<hbm>>
      tpu.enqueue_indirect_dma source(%dma_start3A_22 : memref<10000x128xf32, #tpu.memory_space<hbm>>) target(%arg9 : memref<200x128xf32, #tpu.memory_space<vmem>>) offsets(%arg7 : memref<200xi32, #tpu.memory_space<vmem>>) semaphore(%arg11 : memref<!tpu.dma_semaphore, #tpu.memory_space<semaphore_mem>>)
      %dma_wait3A = arith.constant 0 : i32
      %dma_wait3A_23 = arith.constant 0 : i32
      %dma_wait3A_24 = tpu.memref_slice %arg2[%dma_wait3A, %dma_wait3A_23] : memref<10000x128xf32, #tpu.memory_space<hbm>> -> memref<10000x128xf32, #tpu.memory_space<hbm>>
      tpu.wait_indirect_dma semaphore(%arg11 : memref<!tpu.dma_semaphore, #tpu.memory_space<semaphore_mem>>) src(%dma_wait3A_24 : memref<10000x128xf32, #tpu.memory_space<hbm>>) dst(%arg9 : memref<200x128xf32, #tpu.memory_space<vmem>>)
      "tpu.region"() ({
        %run_scoped3A = tpu.sem_alloc : memref<!tpu.dma_semaphore, #tpu.memory_space<semaphore_mem>>
        %dma_start3A_25 = arith.constant 0 : i32
        %dma_start3A_26 = arith.constant 0 : i32
        %dma_start3A_27 = tpu.memref_slice %arg10[%dma_start3A_25, %dma_start3A_26] : memref<10240x128xf32, #tpu.memory_space<vmem_shared>> -> memref<10240x128xf32, #tpu.memory_space<vmem_shared>>
        tpu.enqueue_indirect_dma source(%arg9 : memref<200x128xf32, #tpu.memory_space<vmem>>) target(%dma_start3A_27 : memref<10240x128xf32, #tpu.memory_space<vmem_shared>>) offsets(%arg8 : memref<200xi32, #tpu.memory_space<vmem>>) semaphore(%run_scoped3A : memref<!tpu.dma_semaphore, #tpu.memory_space<semaphore_mem>>) {add = true}
        %dma_wait3A_28 = arith.constant 0 : i32
        %dma_wait3A_29 = arith.constant 0 : i32
        %dma_wait3A_30 = tpu.memref_slice %arg10[%dma_wait3A_28, %dma_wait3A_29] : memref<10240x128xf32, #tpu.memory_space<vmem_shared>> -> memref<10240x128xf32, #tpu.memory_space<vmem_shared>>
        tpu.wait_indirect_dma semaphore(%run_scoped3A : memref<!tpu.dma_semaphore, #tpu.memory_space<semaphore_mem>>) src(%arg9 : memref<200x128xf32, #tpu.memory_space<vmem>>) dst(%dma_wait3A_30 : memref<10240x128xf32, #tpu.memory_space<vmem_shared>>)
        tpu.yield
      }) : () -> ()
    }
    %scan3A_9 = arith.constant 50 : i32
    %barrier3A_10 = arith.constant 0 : index
    tpu.barrier barrier_id(%barrier3A_10)
    %mul3A_11 = arith.constant 640 : i32
    %mul3A_12 = arith.muli %arg1, %mul3A_11 : i32
    %mul3A_13 = arith.constant 640 : i32
    %mul3A_14 = arith.muli %arg1, %mul3A_13 : i32
    "tpu.region"() ({
      %run_scoped3A = tpu.sem_alloc : memref<!tpu.dma_semaphore, #tpu.memory_space<semaphore_mem>>
      %dma_start3A = arith.constant 0 : i32
      %dma_start3A_15 = tpu.memref_slice %arg6[%arg0, %mul3A_14, %dma_start3A] : memref<2x10240x128xf32, #tpu.memory_space<hbm>> -> memref<1x640x128xf32, #tpu.memory_space<hbm>>
      %dma_start3A_16 = tpu.memref_squeeze %dma_start3A_15 : memref<1x640x128xf32, #tpu.memory_space<hbm>> -> memref<640x128xf32, #tpu.memory_space<hbm>>
      %dma_start3A_17 = arith.constant 0 : i32
      %dma_start3A_18 = tpu.memref_slice %arg10[%mul3A_12, %dma_start3A_17] : memref<10240x128xf32, #tpu.memory_space<vmem_shared>> -> memref<640x128xf32, #tpu.memory_space<vmem_shared>>
      tpu.enqueue_dma source(%dma_start3A_18 : memref<640x128xf32, #tpu.memory_space<vmem_shared>>) target(%dma_start3A_16 : memref<640x128xf32, #tpu.memory_space<hbm>>) target_semaphore(%run_scoped3A : memref<!tpu.dma_semaphore, #tpu.memory_space<semaphore_mem>>)
      %dma_wait3A = arith.constant 0 : i32
      %dma_wait3A_19 = tpu.memref_slice %arg6[%arg0, %mul3A_14, %dma_wait3A] : memref<2x10240x128xf32, #tpu.memory_space<hbm>> -> memref<1x640x128xf32, #tpu.memory_space<hbm>>
      %dma_wait3A_20 = tpu.memref_squeeze %dma_wait3A_19 : memref<1x640x128xf32, #tpu.memory_space<hbm>> -> memref<640x128xf32, #tpu.memory_space<hbm>>
      %dma_wait3A_21 = arith.constant 0 : i32
      %dma_wait3A_22 = tpu.memref_slice %arg10[%mul3A_12, %dma_wait3A_21] : memref<10240x128xf32, #tpu.memory_space<vmem_shared>> -> memref<640x128xf32, #tpu.memory_space<vmem_shared>>
      tpu.wait_dma2 semaphore(%run_scoped3A : memref<!tpu.dma_semaphore, #tpu.memory_space<semaphore_mem>>) src(%dma_wait3A_22 : memref<640x128xf32, #tpu.memory_space<vmem_shared>>) dst(%dma_wait3A_20 : memref<640x128xf32, #tpu.memory_space<hbm>>)
      tpu.yield
    }) : () -> ()
    return
  }
}

module attributes {stable_mosaic.version = 14 : i64} {
  func.func @body(%arg0: memref<10000x128xf32, #tpu.memory_space<vmem>>, %arg1: memref<128x128xf32, #tpu.memory_space<vmem>>, %arg2: memref<10000x128xf32, #tpu.memory_space<vmem>>) attributes {dimension_semantics = [], scalar_prefetch = 0 : i64, scratch_operands = 0 : i64, tpu.core_type = #tpu.core_type<tc>} {
    %get3A = arith.constant 0 : index
    %get3A_0 = arith.constant 0 : index
    %get3A_1 = vector.load %arg0[%get3A, %get3A_0] : memref<10000x128xf32, #tpu.memory_space<vmem>>, vector<10000x128xf32>
    %get3A_2 = arith.constant 0 : index
    %get3A_3 = arith.constant 0 : index
    %get3A_4 = vector.load %arg1[%get3A_2, %get3A_3] : memref<128x128xf32, #tpu.memory_space<vmem>>, vector<128x128xf32>
    %dot_general3A = arith.constant dense<0.000000e+00> : vector<10000x128xf32>
    %dot_general3A_5 = tpu.matmul %get3A_1, %get3A_4, %dot_general3A {dimension_numbers = #tpu.dot_dimension_numbers<[1], [0], [0], [1], [0, 0, 1, 1], [], []>, transpose_lhs_hint = false} : vector<10000x128xf32>, vector<128x128xf32>, vector<10000x128xf32> -> vector<10000x128xf32>
    %swap3A = arith.constant 0 : index
    %swap3A_6 = arith.constant 0 : index
    %swap3A_7 = vector.load %arg2[%swap3A, %swap3A_6] : memref<10000x128xf32, #tpu.memory_space<vmem>>, vector<10000x128xf32>
    tpu.vector_store %arg2[%swap3A, %swap3A_6], %dot_general3A_5 {strides = array<i32>} : memref<10000x128xf32, #tpu.memory_space<vmem>>, vector<10000x128xf32>,
    return
  }
}

module attributes {stable_mosaic.version = 14 : i64} {
  func.func @body(%arg0: memref<10000x128xf32, #tpu.memory_space<vmem>>, %arg1: memref<10000x1xf32, #tpu.memory_space<vmem>>, %arg2: memref<10000x1xf32, #tpu.memory_space<vmem>>, %arg3: memref<10000x1xf32, #tpu.memory_space<vmem>>, %arg4: memref<10000x128xf32, #tpu.memory_space<vmem>>) attributes {dimension_semantics = [], scalar_prefetch = 0 : i64, scratch_operands = 0 : i64, tpu.core_type = #tpu.core_type<tc>} {
    %get3A = arith.constant 0 : index
    %get3A_0 = arith.constant 0 : index
    %get3A_1 = vector.load %arg1[%get3A, %get3A_0] : memref<10000x1xf32, #tpu.memory_space<vmem>>, vector<10000x1xf32>
    %get3A_2 = arith.constant 0 : index
    %get3A_3 = arith.constant 0 : index
    %get3A_4 = vector.load %arg2[%get3A_2, %get3A_3] : memref<10000x1xf32, #tpu.memory_space<vmem>>, vector<10000x1xf32>
    %add3A = arith.addf %get3A_1, %get3A_4 : vector<10000x1xf32>
    %add3A_5 = arith.constant 1.000000e+00 : f32
    %add3A_6 = vector.broadcast %add3A_5 : f32 to vector<10000x1xf32>
    %add3A_7 = arith.addf %add3A, %add3A_6 : vector<10000x1xf32>
    %rsqrt3A = math.rsqrt %add3A_7 : vector<10000x1xf32>
    %swap3A = arith.constant 0 : index
    %swap3A_8 = arith.constant 0 : index
    %swap3A_9 = vector.load %arg3[%swap3A, %swap3A_8] : memref<10000x1xf32, #tpu.memory_space<vmem>>, vector<10000x1xf32>
    tpu.vector_store %arg3[%swap3A, %swap3A_8], %rsqrt3A {strides = array<i32>} : memref<10000x1xf32, #tpu.memory_space<vmem>>, vector<10000x1xf32>,
    %get3A_10 = arith.constant 0 : index
    %get3A_11 = arith.constant 0 : index
    %get3A_12 = vector.load %arg0[%get3A_10, %get3A_11] : memref<10000x128xf32, #tpu.memory_space<vmem>>, vector<10000x128xf32>
    %mul3A = vector.broadcast %rsqrt3A : vector<10000x1xf32> to vector<10000x128xf32>
    %mul3A_13 = arith.mulf %get3A_12, %mul3A : vector<10000x128xf32>
    %swap3A_14 = arith.constant 0 : index
    %swap3A_15 = arith.constant 0 : index
    %swap3A_16 = vector.load %arg4[%swap3A_14, %swap3A_15] : memref<10000x128xf32, #tpu.memory_space<vmem>>, vector<10000x128xf32>
    tpu.vector_store %arg4[%swap3A_14, %swap3A_15], %mul3A_13 {strides = array<i32>} : memref<10000x128xf32, #tpu.memory_space<vmem>>, vector<10000x128xf32>,
    return
  }
}

module attributes {stable_mosaic.version = 14 : i64} {
  func.func @body(%arg0: memref<10000x128xf32, #tpu.memory_space<vmem>>, %arg1: memref<10000x128xf32, #tpu.memory_space<vmem>>, %arg2: memref<10000x128xf32, #tpu.memory_space<vmem>>, %arg3: memref<10000x1xf32, #tpu.memory_space<vmem>>, %arg4: memref<1x128xf32, #tpu.memory_space<vmem>>, %arg5: memref<128x128xf32, #tpu.memory_space<vmem>>, %arg6: memref<10000x128xf32, #tpu.memory_space<vmem>>) attributes {dimension_semantics = [], scalar_prefetch = 0 : i64, scratch_operands = 0 : i64, tpu.core_type = #tpu.core_type<tc>} {
    %get3A = arith.constant 0 : index
    %get3A_0 = arith.constant 0 : index
    %get3A_1 = vector.load %arg3[%get3A, %get3A_0] : memref<10000x1xf32, #tpu.memory_space<vmem>>, vector<10000x1xf32>
    %get3A_2 = arith.constant 0 : index
    %get3A_3 = arith.constant 0 : index
    %get3A_4 = vector.load %arg0[%get3A_2, %get3A_3] : memref<10000x128xf32, #tpu.memory_space<vmem>>, vector<10000x128xf32>
    %get3A_5 = arith.constant 0 : index
    %get3A_6 = arith.constant 0 : index
    %get3A_7 = vector.load %arg1[%get3A_5, %get3A_6] : memref<10000x128xf32, #tpu.memory_space<vmem>>, vector<10000x128xf32>
    %add3A = arith.addf %get3A_4, %get3A_7 : vector<10000x128xf32>
    %get3A_8 = arith.constant 0 : index
    %get3A_9 = arith.constant 0 : index
    %get3A_10 = vector.load %arg2[%get3A_8, %get3A_9] : memref<10000x128xf32, #tpu.memory_space<vmem>>, vector<10000x128xf32>
    %add3A_11 = arith.addf %add3A, %get3A_10 : vector<10000x128xf32>
    %mul3A = vector.broadcast %get3A_1 : vector<10000x1xf32> to vector<10000x128xf32>
    %mul3A_12 = arith.mulf %mul3A, %add3A_11 : vector<10000x128xf32>
    %get3A_13 = arith.constant 0 : index
    %get3A_14 = arith.constant 0 : index
    %get3A_15 = vector.load %arg4[%get3A_13, %get3A_14] : memref<1x128xf32, #tpu.memory_space<vmem>>, vector<1x128xf32>
    %add3A_16 = vector.broadcast %get3A_15 : vector<1x128xf32> to vector<10000x128xf32>
    %add3A_17 = arith.addf %mul3A_12, %add3A_16 : vector<10000x128xf32>
    %max3A = arith.constant 0.000000e+00 : f32
    %max3A_18 = vector.broadcast %max3A : f32 to vector<10000x128xf32>
    %max3A_19 = arith.maximumf %add3A_17, %max3A_18 : vector<10000x128xf32>
    %get3A_20 = arith.constant 0 : index
    %get3A_21 = arith.constant 0 : index
    %get3A_22 = vector.load %arg5[%get3A_20, %get3A_21] : memref<128x128xf32, #tpu.memory_space<vmem>>, vector<128x128xf32>
    %dot_general3A = arith.constant dense<0.000000e+00> : vector<10000x128xf32>
    %dot_general3A_23 = tpu.matmul %max3A_19, %get3A_22, %dot_general3A {dimension_numbers = #tpu.dot_dimension_numbers<[1], [0], [0], [1], [0, 0, 1, 1], [], []>, transpose_lhs_hint = false} : vector<10000x128xf32>, vector<128x128xf32>, vector<10000x128xf32> -> vector<10000x128xf32>
    %get3A_24 = arith.constant 0 : index
    %get3A_25 = arith.constant 0 : index
    %get3A_26 = vector.load %arg3[%get3A_24, %get3A_25] : memref<10000x1xf32, #tpu.memory_space<vmem>>, vector<10000x1xf32>
    %mul3A_27 = vector.broadcast %get3A_26 : vector<10000x1xf32> to vector<10000x128xf32>
    %mul3A_28 = arith.mulf %dot_general3A_23, %mul3A_27 : vector<10000x128xf32>
    %swap3A = arith.constant 0 : index
    %swap3A_29 = arith.constant 0 : index
    %swap3A_30 = vector.load %arg6[%swap3A, %swap3A_29] : memref<10000x128xf32, #tpu.memory_space<vmem>>, vector<10000x128xf32>
    tpu.vector_store %arg6[%swap3A, %swap3A_29], %mul3A_28 {strides = array<i32>} : memref<10000x128xf32, #tpu.memory_space<vmem>>, vector<10000x128xf32>,
    return
  }
}

module attributes {stable_mosaic.version = 14 : i64} {
  func.func @body(%arg0: memref<10000x128xf32, #tpu.memory_space<vmem>>, %arg1: memref<10000x128xf32, #tpu.memory_space<vmem>>, %arg2: memref<10000x128xf32, #tpu.memory_space<vmem>>, %arg3: memref<10000x1xf32, #tpu.memory_space<vmem>>, %arg4: memref<1x128xf32, #tpu.memory_space<vmem>>, %arg5: memref<10000x128xf32, #tpu.memory_space<vmem>>) attributes {dimension_semantics = [], scalar_prefetch = 0 : i64, scratch_operands = 0 : i64, tpu.core_type = #tpu.core_type<tc>} {
    %get3A = arith.constant 0 : index
    %get3A_0 = arith.constant 0 : index
    %get3A_1 = vector.load %arg3[%get3A, %get3A_0] : memref<10000x1xf32, #tpu.memory_space<vmem>>, vector<10000x1xf32>
    %get3A_2 = arith.constant 0 : index
    %get3A_3 = arith.constant 0 : index
    %get3A_4 = vector.load %arg0[%get3A_2, %get3A_3] : memref<10000x128xf32, #tpu.memory_space<vmem>>, vector<10000x128xf32>
    %get3A_5 = arith.constant 0 : index
    %get3A_6 = arith.constant 0 : index
    %get3A_7 = vector.load %arg1[%get3A_5, %get3A_6] : memref<10000x128xf32, #tpu.memory_space<vmem>>, vector<10000x128xf32>
    %add3A = arith.addf %get3A_4, %get3A_7 : vector<10000x128xf32>
    %get3A_8 = arith.constant 0 : index
    %get3A_9 = arith.constant 0 : index
    %get3A_10 = vector.load %arg2[%get3A_8, %get3A_9] : memref<10000x128xf32, #tpu.memory_space<vmem>>, vector<10000x128xf32>
    %add3A_11 = arith.addf %add3A, %get3A_10 : vector<10000x128xf32>
    %mul3A = vector.broadcast %get3A_1 : vector<10000x1xf32> to vector<10000x128xf32>
    %mul3A_12 = arith.mulf %mul3A, %add3A_11 : vector<10000x128xf32>
    %get3A_13 = arith.constant 0 : index
    %get3A_14 = arith.constant 0 : index
    %get3A_15 = vector.load %arg4[%get3A_13, %get3A_14] : memref<1x128xf32, #tpu.memory_space<vmem>>, vector<1x128xf32>
    %add3A_16 = vector.broadcast %get3A_15 : vector<1x128xf32> to vector<10000x128xf32>
    %add3A_17 = arith.addf %mul3A_12, %add3A_16 : vector<10000x128xf32>
    %swap3A = arith.constant 0 : index
    %swap3A_18 = arith.constant 0 : index
    %swap3A_19 = vector.load %arg5[%swap3A, %swap3A_18] : memref<10000x128xf32, #tpu.memory_space<vmem>>, vector<10000x128xf32>
    tpu.vector_store %arg5[%swap3A, %swap3A_18], %add3A_17 {strides = array<i32>} : memref<10000x128xf32, #tpu.memory_space<vmem>>, vector<10000x128xf32>,
    return
  }
}

</mosaic_0001>

<sc_bundles>
// kernel: kernel.12.cloned.1.call-start
scs
__scs_entry_jumppad:
0x0: {  	(pc) =	sbr.rel $0x88, $3  }
0x1: {  	(tag) =	ssettag $0x0;
	lr =	simm.s32 $0x1  }
0x2: {  	[smem:$0x3F9B] =	sst lr;
	_ =	strace $0xD0000000  }
0x3: {  	_ = 	snop  }
0x4: {  	_ = 	snop  }
0x5: {  	_ = 	snop  }
0x6: {  	_ = 	snop  }
0x7: {  	_ = 	snop  }
__scs_overlays_trampoline_lowered:
0x8: {  	[smem:$0x3FAA] =	sst s0  }
0x9: {  	[smem:$0x3FAB] =	sst s1  }
0xa: {  	[smem:$0x3FAC] =	sst s2  }
0xb: {  	[smem:$0x3FAD] =	sst s3  }
0xc: {  	[smem:$0x3FAE] =	sst s4  }
0xd: {  	[smem:$0x3FAF] =	sst s5  }
0xe: {  	[smem:$0x3FB0] =	sst s6  }
0xf: {  	[smem:$0x3FB1] =	sst s7  }
0x10: {  	[smem:$0x3FB2] =	sst s8  }
0x11: {  	[smem:$0x3FB3] =	sst s9;
	s0 =	simm.s32 @!p0 $0x0  }
0x12: {  	s1 =	sld [smem:$0x3F99];
	s0 =	simm.s32 @p0 $0x1  }
0x13: {  	[smem:$0x3FB4] =	sst s0;
	s0 =	simm.s32 @!p1 $0x0  }
0x14: {  	s2 =	sld [smem:$0x3F98];
	s0 =	simm.s32 @p1 $0x1  }
0x15: {  	[smem:$0x3FB5] =	sst s0;
	s0 =	simm.s32 @!p2 $0x0  }
0x16: {  	s3 =	sld [smem:$0x3FDB];
	s0 =	simm.s32 @p2 $0x1  }
0x17: {  	s4 =	simm.s32 $0x1BF5;
	[smem:$0x3FB7] =	sst s0  }
0x18: {  	s0 =	sld [smem:$0x3F9A];
	_ =	swait.ge [sflag:s4], $0x0  }
0x19: {  	s7 =	sld [smem:$0x3F9B]  }
0x1a: {  	s8 =	sadd.s32 $0xFFFFE003, lr  }
0x1b: {  	s9 =	sadd.s32 $0xFFFFFEF7, lr;
	s5 =	simm.s32 $0xFFFFFFFF;
	p2 =	slt.u32 s8, $0xFFFFF086  }
0x1c: {  	p1 =	slt.u32 s9, $0xF7A;
	s5 =	simm.s32 @!p2 $0x0  }
0x1d: {  	s5 =	simm.s32 @p1 $0x1;
	p0 =	seq.s32 s7, s2  }
0x1e: {  	s7 =	smul.u32 @!p0 $0xF7A, s2;
	p2 =	seq.s32 @!p0 s5, $0x0  }
0x1f: {  	s9 =	smul.u32 $0xF7A, s1;
	s8 =	simm.s32 @!p0 $0x1BF5;
	p2 =	por !p2, p0  }
0x20: {  	[sflag:s8] =	ssyncset.s32 @!p0 $0xFFFFF086;
	s6 =	sadd.s32 @!p0 s3, s7;
	s7 =	simm.s32 @!p0 $0x108  }
0x21: {  	s3 =	sadd.s32 s3, s9;
	s6 =	sadd.s32 @!p0 $0x88, s6;
	s7 =	simm.s32 @p2 $0x1082  }
0x22: {  	[simem:s7], [sflag:s8] =	dma.local @!p0 [hbm:s6], $0xF7A  }
0x23: {  	s9 =	sor.u32 $0xD0000000, s2;
	s6 =	simm.s32 $0x108;
	_ =	swait.ge @!p0 [sflag:s8], $0x0  }
0x24: {  	s3 =	sadd.s32 $0x88, s3;
	s6 =	simm.s32 @!p1 $0x1082;
	[sflag:s4] =	ssyncset.s32 $0xFFFFF086  }
0x25: {  	[simem:s6], [sflag:s4] =	dma.local [hbm:s3], $0xF7A  }
0x26: {  	[smem:$0x3F9B] =	sst s1;
	(tag) =	ssettag s2;
	_ =	strace s9  }
0x27: {  	s1 =	sld [smem:$0x3FAB]  }
0x28: {  	s2 =	sld [smem:$0x3FAC]  }
0x29: {  	s4 =	sld [smem:$0x3FAE]  }
0x2a: {  	p0 =	seq.s32 s5, $0x0;
	s5 =	sld [smem:$0x3FAF]  }
0x2b: {  	s6 =	sld [smem:$0x3FB0]  }
0x2c: {  	s7 =	sld [smem:$0x3FB1]  }
0x2d: {  	s3 =	simm.s32 $0x108;
	s8 =	sld [smem:$0x3FB2]  }
0x2e: {  	s3 =	simm.s32 @!p0 $0x1082;
	s9 =	sld [smem:$0x3FB3]  }
0x2f: {  	lr =	sadd.s32 s0, s3;
	s0 =	sld [smem:$0x3FAA]  }
0x30: {  	s3 =	sld [smem:$0x3FAD]  }
0x31: {  	[smem:$0x3FB6] =	sst s10  }
0x32: {  	s10 =	sld [smem:$0x3FB4];
	_ =	sdelay $0x3  }
0x33: {  	p0 =	seq.s32 s10, $0x1;
	s10 =	sld [smem:$0x3FB6];
	_ =	sdelay $0x3  }
0x34: {  	[smem:$0x3FB6] =	sst s10  }
0x35: {  	s10 =	sld [smem:$0x3FB5];
	_ =	sdelay $0x3  }
0x36: {  	p1 =	seq.s32 s10, $0x1;
	s10 =	sld [smem:$0x3FB6];
	_ =	sdelay $0x3  }
0x37: {  	[smem:$0x3FB6] =	sst s10  }
0x38: {  	s10 =	sld [smem:$0x3FB7]  }
0x39: {  	_ = 	snop;
	(pc) =	sbr.ind lr, $3  }
0x3a: {  	_ = 	snop  }
0x3b: {  	_ = 	snop  }
0x3c: {  	p2 =	seq.s32 s10, $0x1;
	s10 =	sld [smem:$0x3FB6]  }
0x3d: {  	_ =	shalt  }
0x3e: {  	_ =	shalt  }
0x3f: {  	_ =	shalt  }
0x40: {  	_ =	shalt  }
0x41: {  	_ =	shalt  }
0x42: {  	_ =	shalt  }
0x43: {  	_ =	shalt  }
0x44: {  	_ =	shalt  }
0x45: {  	_ =	shalt  }
0x46: {  	_ =	shalt  }
0x47: {  	_ =	shalt  }
0x48: {  	_ =	shalt  }
0x49: {  	_ =	shalt  }
0x4a: {  	_ =	shalt  }
0x4b: {  	_ =	shalt  }
0x4c: {  	_ =	shalt  }
0x4d: {  	_ =	shalt  }
0x4e: {  	_ =	shalt  }
0x4f: {  	_ =	shalt  }
0x50: {  	_ =	shalt  }
0x51: {  	_ =	shalt  }
0x52: {  	_ =	shalt  }
0x53: {  	_ =	shalt  }
0x54: {  	_ =	shalt  }
0x55: {  	_ =	shalt  }
0x56: {  	_ =	shalt  }
0x57: {  	_ =	shalt  }
0x58: {  	_ =	shalt  }
0x59: {  	_ =	shalt  }
0x5a: {  	_ =	shalt  }
0x5b: {  	_ =	shalt  }
0x5c: {  	_ =	shalt  }
0x5d: {  	_ =	shalt  }
0x5e: {  	_ =	shalt  }
0x5f: {  	_ =	shalt  }
0x60: {  	_ =	shalt  }
0x61: {  	_ =	shalt  }
0x62: {  	_ =	shalt  }
0x63: {  	_ =	shalt  }
0x64: {  	_ =	shalt  }
0x65: {  	_ =	shalt  }
0x66: {  	_ =	shalt  }
0x67: {  	_ =	shalt  }
0x68: {  	_ =	shalt  }
0x69: {  	_ =	shalt  }
0x6a: {  	_ =	shalt  }
0x6b: {  	_ =	shalt  }
0x6c: {  	_ =	shalt  }
0x6d: {  	_ =	shalt  }
0x6e: {  	_ =	shalt  }
0x6f: {  	_ =	shalt  }
0x70: {  	_ =	shalt  }
0x71: {  	_ =	shalt  }
0x72: {  	_ =	shalt  }
0x73: {  	_ =	shalt  }
0x74: {  	_ =	shalt  }
0x75: {  	_ =	shalt  }
0x76: {  	_ =	shalt  }
0x77: {  	_ =	shalt  }
0x78: {  	_ =	shalt  }
0x79: {  	_ =	shalt  }
0x7a: {  	_ =	shalt  }
0x7b: {  	_ =	shalt  }
0x7c: {  	_ =	shalt  }
0x7d: {  	_ =	shalt  }
0x7e: {  	_ =	shalt  }
0x7f: {  	_ =	shalt  }
0x80: {  	_ =	shalt  }
0x81: {  	_ =	shalt  }
0x82: {  	_ =	shalt  }
0x83: {  	_ =	shalt  }
0x84: {  	_ =	shalt  }
0x85: {  	_ =	shalt  }
0x86: {  	_ =	shalt  }
0x87: {  	_ =	shalt  }
.Lfunc_end0:
.L_simem_size_0:
called_computation.1_lowered:
.L_overlay_start_0:
0x88: {  	s2 =	sld [smem:$0x3FD9]  }
0x89: {  	s3 =	sld [smem:$0x3FFE];
	_ =	sdelay $0x1  }
0x8a: {  	s1 =	srdreg.scid  }
0x8b: {  	s0 =	sand.u32 $0x1, s1  }
0x8c: {  	s17 =	sshll.u32 s0, $0xA;
	s2 =	sadd.s32 s3, s2  }
0x8d: {  	s2 =	sadd.s32 s2, s17  }
0x8e: {  	[smem:$0x3FC2] =	sst s2  }
0x8f: {  	_ = 	snop  }
0x90: {  	s2 =	sld [smem:$0x3FD0];
	(tm) =	ssettm $0x1  }
0x91: {  	s18 =	sld [smem:$0x3FFB];
	_ =	sdelay $0x3  }
0x92: {  	_ =	strace s18  }
0x93: {  	s3 =	sld [smem:$0x3FFC];
	_ =	sdelay $0x3  }
0x94: {  	_ =	strace s3  }
0x95: {  	s3 =	sld [smem:$0x3FFD];
	_ =	sdelay $0x3  }
0x96: {  	_ =	strace s3  }
0x97: {  	_ =	strace $0x8FFFFFFF  }
0x98: {  	s19 =	sld [smem:$0x3FDB];
	_ =	sdelay $0x1  }
0x99: {  	s4 =	simm.s32 $_scs_section_size  }
0x9a: {  	s5 =	simm.s32 $_size__tile_overlayer_lowered;
	s6 =	simm.s32 $_tile_overlayer_lowered  }
0x9b: {  	s22 =	simm.s32 $0x1BFF;
	s21 =	sshll.u32 s6, $0x1;
	s3 =	sadd.s32 s4, s19  }
0x9c: {  	s7 =	simm.s32 $0x0;
	s20 =	sshll.u32 s5, $0x1;
	s5 =	sadd.s32 s21, s3  }
0x9d: {  	[timem:s7], [sflag:s22] =	dma.local [hbm:s5], s20  }
0x9e: {  	_ =	swait.ge [sflag:s22], s20  }
0x9f: {  	s4 =	ssub.s32 $0x0, s20;
	[sflag:s22] =	ssyncset.done $0x0  }
0xa0: {  	[sflag:s22] =	ssyncadd.s32 s4;
	_ =	sdelay $0x1  }
0xa1: {  	s23 =	simm.s32 $0x1B8B  }
0xa2: {  	_ =	swait.ge [sflag:s23], $0x1  }
0xa3: {  	[sflag:s23] =	ssyncset.done $0x0  }
0xa4: {  	s25 =	simm.s32 $0x1B8E;
	s24 =	sld [smem:$0x3FFE];
	[sflag:s23] =	ssyncadd.s32 $0xFFFFFFFF  }
0xa5: {  	s26 =	simm.s32 $execute0_lowered;
	[smem:$0x3FD2] =	sst s25  }
0xa6: {  	s5 =	sshll.u32 s26, $0x1;
	_ =	strace $0x80000049;
	[dreg:$0x1] =	wrdreg $0xFFFFFFFF  }
0xa7: {  	s28 =	simm.s32 $_size_execute0_lowered;
	s3 =	sadd.s32 s3, s5;
	[dreg:$0x0] =	wrdreg $0x0  }
0xa8: {  	s5 =	sshll.u32 s28, $0x1;
	[dreg:$0x2] =	wrdreg s3  }
0xa9: {  	[dreg:$0x3] =	wrdreg s5  }
0xaa: {  	[dreg:$0x4] =	wrdreg $0xC0  }
0xab: {  	_ =	task [dreg:s7], $0x5FFFF  }
0xac: {  	[dreg:$0x1] =	wrdreg $0xFFFFFFFF  }
0xad: {  	[dreg:$0x0] =	wrdreg $0x60  }
0xae: {  	[dreg:$0x2] =	wrdreg s2  }
0xaf: {  	[dreg:$0x3] =	wrdreg s24  }
0xb0: {  	[dreg:$0x4] =	wrdreg $0x66000  }
0xb1: {  	[dreg:$0x5] =	wrdreg $0x9  }
0xb2: {  	_ =	task.clear_ibuf [dreg:s7], $0x6FFFF;
	_ =	strace $0x90000049  }
0xb3: {  	s29 =	simm.s32 $0x9;
	_ =	strace $0x8000004B  }
0xb4: {  	_ =	swait.ge [sflag:s29], $0x1  }
0xb5: {  	[sflag:s29] =	ssyncadd.s32 $0xFFFFFFFF  }
0xb6: {  	_ =	strace $0x9000004B  }
0xb7: {  	_ =	sfence  }
0xb8: {  	s30 =	sld [smem:$0x0];
	_ =	sdelay $0x2  }
0xb9: {  	s31 =	sshll.u32 s1, $0xD;
	s1 =	sshrl.u32 s1, $0x2  }
0xba: {  	s3 =	sand.u32 $0x4000, s31;
	s1 =	sadd.s32 s1, s30  }
0xbb: {  	s0 =	sor.u32 s3, s0;
	s1 =	sshll.u32 s1, $0x11  }
0xbc: {  	s0 =	sor.u32 s1, s0  }
0xbd: {  	s0 =	sadd.s32 $0x8F2B, s0  }
0xbe: {  	[sflag:s0] =	ssyncadd.remote.s32 $0x1  }
0xbf: {  	_ =	sfence.sel $0xFFFF  }
0xc0: {  	[dreg:$0x0] =	wrdreg $0xFFFFFFFF;
	(pc) =	sbr.abs _section_cstart, $3  }
0xc1: {  	[dreg:$0x1] =	wrdreg $0xFFFFFFFF  }
0xc2: {  	_ =	task.clear_ibuf [dreg:s7], $0x2FFFF;
	_ =	strace $0x9FFFFFFF  }
0xc3: {  	(tm) =	ssettm $0x7FFFFFFF  }
tec
execute0_lowered:
.L_overlay_start_1:
0x0: {  	(tag) =	ssettag $0x1  }
0x1: {  	s1 =	rddreg [dreg:$0x0]  }
0x2: {  	s2 =	srdreg.scid;
	s5 =	rddreg [dreg:$0x1]  }
0x3: {  	s0 =	stileid.u32;
	s3 =	rddreg [dreg:$0x2];
	s4 =	simm.s32 $0x0  }
0x4: {  	s13 =	simm.s32 $0x100;
	s14 =	simm.s32 $0xC8;
	s7 =	smul.u32 $0x4E20, s0  }
0x5: {  	s15 =	simm.s32 $0x200;
	s16 =	simm.s32 $0x1;
	s26 =	smul.u32 $0x14000, s0  }
0x6: {  	s6 =	sand.u32 $0x1, s2;
	s2 =	rddreg [dreg:$0x3];
	s29 =	smul.u32 $0x50000, s0  }
0x7: {  	s17 =	simm.s32 $0x0;
	[smem:$0x7FF] =	sst s4;
	s8 =	smul.u32 $0x2710, s6  }
0x8: {  	s31 =	sshll.u32 s0, $0x6;
	s9 =	smul.u32 $0x140000, s6;
	s6 =	ssub.s32 $0x2, s6  }
0x9: {  	_ =	strace $0x8000004A;
	s28 =	sshrl.u32 s26, $0x3;
	s11 =	sshrl.u32 s6, $0x1  }
0xa: {  	s30 =	sshrl.u32 s29, $0x2;
	s7 =	sadd.s32 s8, s7;
	s8 =	sadd.s32 s26, s9  }
0xb: {  	s11 =	ssub.s32 s6, s11;
	s12 =	sadd.s32 s30, s3;
	s7 =	sshrl.u32 s7, $0x3  }
0xc: {  	s8 =	sshrl.u32 s8, $0x3;
	s10 =	sadd.s32 s7, s5;
	s7 =	sadd.s32 s28, s5  }
0xd: {  	s6 =	sor.u32 $0x1C02, s31;
	s8 =	sadd.s32 s8, s5;
	s5 =	sadd.s32 $0x3E200, s7  }
0xe: {  	s7 =	sadd.s32 $0x66200, s8;
	s8 =	smax.u32 s11, $0x1;
	s9 =	sadd.s32 $0xD200, s10  }
0xf: {  	s10 =	sadd.s32 $0x3400, s10;
	s11 =	sshrl.u32 s12, $0x3;
	s12 =	simm.s32 $0x2  }
.LBB2_1:
0x10: {  	[spmem:s11], [sflag:s6] =	dma.local [hbm:s5], $0x2800  }
0x11: {  	_ =	swait.ge [sflag:s12], $0x2800  }
0x12: {  	[sflag:s12] =	ssyncset.done $0x0  }
0x13: {  	[sflag:s12] =	ssyncadd.s32 $0xFFFFD800  }
0x14: {  	s18 =	sadd.s32 $0x0, s10;
	[bflag:$0x0] =	sbarrier.arrive $0xFFFF  }
0x15: {  	[tilespmem:s4], [sflag:$0x2] =	stream.linear.gather [hbm4b:s18+s4], $0xC8, $0x38;
	[tilespmem:$0x1A600] =	vst v63  }
0x16: {  	_ =	swait.ge [sflag:s12], $0xC8  }
0x17: {  	[sflag:s12] =	ssyncset.done $0x0  }
0x18: {  	s31 =	sadd.s32 $0x0, s9;
	[sflag:s12] =	ssyncadd.s32 $0xFFFFFF38  }
0x19: {  	[tilespmem:s13], [sflag:$0x2] =	stream.linear.gather [hbm4b:s31+s4], $0xC8, $0x38;
	[tilespmem:$0x1A600] =	vst v63  }
0x1a: {  	_ =	swait.ge [sflag:s12], $0xC8  }
0x1b: {  	[sflag:s12] =	ssyncset.done $0x0  }
0x1c: {  	[sflag:s12] =	ssyncadd.s32 $0xFFFFFF38  }
0x1d: {  	[tilespmem:s15], [sflag:$0x1] =	stream.indirect.gather [hbm4b:s1+s14], $0x80, s4, s14, $0xb8;
	[tilespmem:$0x1A600] =	vst v63  }
0x1e: {  	_ =	swait.ge [sflag:s16], $0x6400  }
0x1f: {  	[sflag:s16] =	ssyncset.done $0x0  }
0x20: {  	[sflag:s16] =	ssyncadd.s32 $0xFFFF9C00  }
0x21: {  	[spmem:s3] =	stream.indirect.scatter.add.f32 [tilespmem:s15], [sflag:$0x2], $0x80, s13, s14, $0xb8;
	[tilespmem:$0x1A600] =	vst v63  }
0x22: {  	_ =	swait.ge [sflag:s12], $0x6400  }
0x23: {  	s19 =	simm.s32 $0x32;
	s18 =	simm.s32 $0x19;
	[sflag:s12] =	ssyncset.done $0x0  }
.LBB2_2:
0x24: {  	s20 =	sadd.s32 s18, s10  }
0x25: {  	[sflag:s12] =	ssyncadd.s32 $0xFFFF9C00;
	s21 =	smov.u32 s19;
	s22 =	sadd.s32 $0x19, s19  }
0x26: {  	[tilespmem:s4], [sflag:$0x2] =	stream.linear.gather [hbm4b:s20+s4], $0xC8, $0x38;
	[tilespmem:$0x1A600] =	vst v63  }
0x27: {  	p0 =	sne.s32 s19, $0x4C9;
	_ =	swait.ge [sflag:s12], $0xC8  }
0x28: {  	[sflag:s12] =	ssyncset.done $0x0  }
0x29: {  	s19 =	sadd.s32 s18, s9;
	s18 =	smov.u32 s21;
	[sflag:s12] =	ssyncadd.s32 $0xFFFFFF38  }
0x2a: {  	[tilespmem:s13], [sflag:$0x2] =	stream.linear.gather [hbm4b:s19+s4], $0xC8, $0x38;
	[tilespmem:$0x1A600] =	vst v63  }
0x2b: {  	_ =	swait.ge [sflag:s12], $0xC8  }
0x2c: {  	[sflag:s12] =	ssyncset.done $0x0  }
0x2d: {  	[sflag:s12] =	ssyncadd.s32 $0xFFFFFF38  }
0x2e: {  	[tilespmem:s15], [sflag:$0x1] =	stream.indirect.gather [hbm4b:s1+s14], $0x80, s4, s14, $0xb8;
	[tilespmem:$0x1A600] =	vst v63  }
0x2f: {  	_ =	swait.ge [sflag:s16], $0x6400  }
.Ltmp0:
0x30: {  	[sflag:s16] =	ssyncset.done $0x0;
	(pc) =	sbr.rel @p0 .LBB2_2-.Ltmp0, $4  }
0x31: {  	[sflag:s16] =	ssyncadd.s32 $0xFFFF9C00  }
0x32: {  	[spmem:s3] =	stream.indirect.scatter.add.f32 [tilespmem:s15], [sflag:$0x2], $0x80, s13, s14, $0xb8;
	[tilespmem:$0x1A600] =	vst v63  }
0x33: {  	_ =	swait.ge [sflag:s12], $0x6400  }
0x34: {  	s19 =	smov.u32 s22;
	[sflag:s12] =	ssyncset.done $0x0  }
0x35: {  	s19 =	sadd.s32 s18, s10;
	[sflag:s12] =	ssyncadd.s32 $0xFFFF9C00  }
0x36: {  	[tilespmem:s4], [sflag:$0x2] =	stream.linear.gather [hbm4b:s19+s4], $0xC8, $0x38;
	[tilespmem:$0x1A600] =	vst v63  }
0x37: {  	_ =	swait.ge [sflag:s12], $0xC8  }
0x38: {  	[sflag:s12] =	ssyncset.done $0x0  }
0x39: {  	s31 =	sadd.s32 s18, s9;
	[sflag:s12] =	ssyncadd.s32 $0xFFFFFF38  }
0x3a: {  	[tilespmem:s13], [sflag:$0x2] =	stream.linear.gather [hbm4b:s31+s4], $0xC8, $0x38;
	[tilespmem:$0x1A600] =	vst v63  }
0x3b: {  	_ =	swait.ge [sflag:s12], $0xC8  }
0x3c: {  	[sflag:s12] =	ssyncset.done $0x0  }
0x3d: {  	[sflag:s12] =	ssyncadd.s32 $0xFFFFFF38  }
0x3e: {  	[tilespmem:s15], [sflag:$0x1] =	stream.indirect.gather [hbm4b:s1+s14], $0x80, s4, s14, $0xb8;
	[tilespmem:$0x1A600] =	vst v63  }
0x3f: {  	_ =	swait.ge [sflag:s16], $0x6400  }
0x40: {  	[sflag:s16] =	ssyncset.done $0x0  }
0x41: {  	[sflag:s16] =	ssyncadd.s32 $0xFFFF9C00  }
0x42: {  	[spmem:s3] =	stream.indirect.scatter.add.f32 [tilespmem:s15], [sflag:$0x2], $0x80, s13, s14, $0xb8;
	[tilespmem:$0x1A600] =	vst v63  }
0x43: {  	_ =	swait.ge [sflag:s12], $0x6400  }
0x44: {  	s17 =	sadd.s32 $0x1, s17;
	[sflag:s12] =	ssyncset.done $0x0  }
0x45: {  	p0 =	sne.s32 s17, s8;
	[sflag:s12] =	ssyncadd.s32 $0xFFFF9C00  }
.Ltmp1:
0x46: {  	[bflag:$0x0] =	sbarrier.arrive $0xFFFF;
	(pc) =	sbr.rel @p0 .LBB2_1-.Ltmp1, $4  }
0x47: {  	[hbm:s7], [sflag:s6] =	dma.local [spmem:s11], $0x2800  }
0x48: {  	_ =	swait.ge [sflag:s12], $0x2800  }
0x49: {  	[sflag:s12] =	ssyncset.done $0x0  }
0x4a: {  	[sflag:s12] =	ssyncadd.s32 $0xFFFFD800  }
0x4b: {  	_ =	sfence.sel $0x180000  }
0x4c: {  	[bflag:$0x0] =	sbarrier.arrive $0xFFFF  }
0x4d: {  	p0 =	sne.s32 s0, $0x0;
	_ =	strace $0x9000004A  }
0x4e: {  	s0 =	sadd.s32 @!p0 $0x100000, s2;
	[bflag:$0x2] =	sbarrier.arrive $0xFFFF  }
0x4f: {  	[sflag:s0] =	ssyncadd.tile.s32 @!p0 $0x1;
	_ =	shalt  }
.Lfunc_end2:
_tile_overlayer_lowered:
.L_overlay_start_2:
0x50: {  	(tag) =	ssettag $0x2  }
0x51: {  	s0 =	rddreg [dreg:$0x0];
	s2 =	stileid.u32  }
0x52: {  	s1 =	rddreg [dreg:$0x1];
	p0 =	sne.s32 s2, $0x0  }
0x53: {  	s3 =	rddreg [dreg:$0x2];
	[bflag:$0x3] =	sbarrier.arrive $0xFFFF;
	s2 =	simm.s32 @!p0 $0x1C02  }
0x54: {  	[timem:s3], [sflag:s2] =	dma.local @!p0 [hbm:s0], s1  }
0x55: {  	s0 =	simm.s32 @!p0 $0x2  }
0x56: {  	_ =	swait.ge @!p0 [sflag:s0], s1  }
0x57: {  	s1 =	ssub.s32 @!p0 $0x0, s1;
	[sflag:s0] =	ssyncset.done @!p0 $0x0  }
0x58: {  	[sflag:s0] =	ssyncadd.s32 @!p0 s1  }
0x59: {  	[bflag:$0x3] =	sbarrier.arrive $0xFFFF  }
0x5a: {  	_ =	shalt  }

// kernel: kernel.15.cloned.1.call-start
scs
__scs_entry_jumppad:
0x0: {  	(pc) =	sbr.rel $0x88, $3  }
0x1: {  	(tag) =	ssettag $0x0;
	lr =	simm.s32 $0x1  }
0x2: {  	[smem:$0x3F9B] =	sst lr;
	_ =	strace $0xD0000000  }
0x3: {  	_ = 	snop  }
0x4: {  	_ = 	snop  }
0x5: {  	_ = 	snop  }
0x6: {  	_ = 	snop  }
0x7: {  	_ = 	snop  }
__scs_overlays_trampoline_lowered:
0x8: {  	[smem:$0x3FAA] =	sst s0  }
0x9: {  	[smem:$0x3FAB] =	sst s1  }
0xa: {  	[smem:$0x3FAC] =	sst s2  }
0xb: {  	[smem:$0x3FAD] =	sst s3  }
0xc: {  	[smem:$0x3FAE] =	sst s4  }
0xd: {  	[smem:$0x3FAF] =	sst s5  }
0xe: {  	[smem:$0x3FB0] =	sst s6  }
0xf: {  	[smem:$0x3FB1] =	sst s7  }
0x10: {  	[smem:$0x3FB2] =	sst s8  }
0x11: {  	[smem:$0x3FB3] =	sst s9;
	s0 =	simm.s32 @!p0 $0x0  }
0x12: {  	s1 =	sld [smem:$0x3F99];
	s0 =	simm.s32 @p0 $0x1  }
0x13: {  	[smem:$0x3FB4] =	sst s0;
	s0 =	simm.s32 @!p1 $0x0  }
0x14: {  	s2 =	sld [smem:$0x3F98];
	s0 =	simm.s32 @p1 $0x1  }
0x15: {  	[smem:$0x3FB5] =	sst s0;
	s0 =	simm.s32 @!p2 $0x0  }
0x16: {  	s3 =	sld [smem:$0x3FDB];
	s0 =	simm.s32 @p2 $0x1  }
0x17: {  	s4 =	simm.s32 $0x1BF5;
	[smem:$0x3FB7] =	sst s0  }
0x18: {  	s0 =	sld [smem:$0x3F9A];
	_ =	swait.ge [sflag:s4], $0x0  }
0x19: {  	s7 =	sld [smem:$0x3F9B]  }
0x1a: {  	s8 =	sadd.s32 $0xFFFFE003, lr  }
0x1b: {  	s9 =	sadd.s32 $0xFFFFFEF7, lr;
	s5 =	simm.s32 $0xFFFFFFFF;
	p2 =	slt.u32 s8, $0xFFFFF086  }
0x1c: {  	p1 =	slt.u32 s9, $0xF7A;
	s5 =	simm.s32 @!p2 $0x0  }
0x1d: {  	s5 =	simm.s32 @p1 $0x1;
	p0 =	seq.s32 s7, s2  }
0x1e: {  	s7 =	smul.u32 @!p0 $0xF7A, s2;
	p2 =	seq.s32 @!p0 s5, $0x0  }
0x1f: {  	s9 =	smul.u32 $0xF7A, s1;
	s8 =	simm.s32 @!p0 $0x1BF5;
	p2 =	por !p2, p0  }
0x20: {  	[sflag:s8] =	ssyncset.s32 @!p0 $0xFFFFF086;
	s6 =	sadd.s32 @!p0 s3, s7;
	s7 =	simm.s32 @!p0 $0x108  }
0x21: {  	s3 =	sadd.s32 s3, s9;
	s6 =	sadd.s32 @!p0 $0x88, s6;
	s7 =	simm.s32 @p2 $0x1082  }
0x22: {  	[simem:s7], [sflag:s8] =	dma.local @!p0 [hbm:s6], $0xF7A  }
0x23: {  	s9 =	sor.u32 $0xD0000000, s2;
	s6 =	simm.s32 $0x108;
	_ =	swait.ge @!p0 [sflag:s8], $0x0  }
0x24: {  	s3 =	sadd.s32 $0x88, s3;
	s6 =	simm.s32 @!p1 $0x1082;
	[sflag:s4] =	ssyncset.s32 $0xFFFFF086  }
0x25: {  	[simem:s6], [sflag:s4] =	dma.local [hbm:s3], $0xF7A  }
0x26: {  	[smem:$0x3F9B] =	sst s1;
	(tag) =	ssettag s2;
	_ =	strace s9  }
0x27: {  	s1 =	sld [smem:$0x3FAB]  }
0x28: {  	s2 =	sld [smem:$0x3FAC]  }
0x29: {  	s4 =	sld [smem:$0x3FAE]  }
0x2a: {  	p0 =	seq.s32 s5, $0x0;
	s5 =	sld [smem:$0x3FAF]  }
0x2b: {  	s6 =	sld [smem:$0x3FB0]  }
0x2c: {  	s7 =	sld [smem:$0x3FB1]  }
0x2d: {  	s3 =	simm.s32 $0x108;
	s8 =	sld [smem:$0x3FB2]  }
0x2e: {  	s3 =	simm.s32 @!p0 $0x1082;
	s9 =	sld [smem:$0x3FB3]  }
0x2f: {  	lr =	sadd.s32 s0, s3;
	s0 =	sld [smem:$0x3FAA]  }
0x30: {  	s3 =	sld [smem:$0x3FAD]  }
0x31: {  	[smem:$0x3FB6] =	sst s10  }
0x32: {  	s10 =	sld [smem:$0x3FB4];
	_ =	sdelay $0x3  }
0x33: {  	p0 =	seq.s32 s10, $0x1;
	s10 =	sld [smem:$0x3FB6];
	_ =	sdelay $0x3  }
0x34: {  	[smem:$0x3FB6] =	sst s10  }
0x35: {  	s10 =	sld [smem:$0x3FB5];
	_ =	sdelay $0x3  }
0x36: {  	p1 =	seq.s32 s10, $0x1;
	s10 =	sld [smem:$0x3FB6];
	_ =	sdelay $0x3  }
0x37: {  	[smem:$0x3FB6] =	sst s10  }
0x38: {  	s10 =	sld [smem:$0x3FB7]  }
0x39: {  	_ = 	snop;
	(pc) =	sbr.ind lr, $3  }
0x3a: {  	_ = 	snop  }
0x3b: {  	_ = 	snop  }
0x3c: {  	p2 =	seq.s32 s10, $0x1;
	s10 =	sld [smem:$0x3FB6]  }
0x3d: {  	_ =	shalt  }
0x3e: {  	_ =	shalt  }
0x3f: {  	_ =	shalt  }
0x40: {  	_ =	shalt  }
0x41: {  	_ =	shalt  }
0x42: {  	_ =	shalt  }
0x43: {  	_ =	shalt  }
0x44: {  	_ =	shalt  }
0x45: {  	_ =	shalt  }
0x46: {  	_ =	shalt  }
0x47: {  	_ =	shalt  }
0x48: {  	_ =	shalt  }
0x49: {  	_ =	shalt  }
0x4a: {  	_ =	shalt  }
0x4b: {  	_ =	shalt  }
0x4c: {  	_ =	shalt  }
0x4d: {  	_ =	shalt  }
0x4e: {  	_ =	shalt  }
0x4f: {  	_ =	shalt  }
0x50: {  	_ =	shalt  }
0x51: {  	_ =	shalt  }
0x52: {  	_ =	shalt  }
0x53: {  	_ =	shalt  }
0x54: {  	_ =	shalt  }
0x55: {  	_ =	shalt  }
0x56: {  	_ =	shalt  }
0x57: {  	_ =	shalt  }
0x58: {  	_ =	shalt  }
0x59: {  	_ =	shalt  }
0x5a: {  	_ =	shalt  }
0x5b: {  	_ =	shalt  }
0x5c: {  	_ =	shalt  }
0x5d: {  	_ =	shalt  }
0x5e: {  	_ =	shalt  }
0x5f: {  	_ =	shalt  }
0x60: {  	_ =	shalt  }
0x61: {  	_ =	shalt  }
0x62: {  	_ =	shalt  }
0x63: {  	_ =	shalt  }
0x64: {  	_ =	shalt  }
0x65: {  	_ =	shalt  }
0x66: {  	_ =	shalt  }
0x67: {  	_ =	shalt  }
0x68: {  	_ =	shalt  }
0x69: {  	_ =	shalt  }
0x6a: {  	_ =	shalt  }
0x6b: {  	_ =	shalt  }
0x6c: {  	_ =	shalt  }
0x6d: {  	_ =	shalt  }
0x6e: {  	_ =	shalt  }
0x6f: {  	_ =	shalt  }
0x70: {  	_ =	shalt  }
0x71: {  	_ =	shalt  }
0x72: {  	_ =	shalt  }
0x73: {  	_ =	shalt  }
0x74: {  	_ =	shalt  }
0x75: {  	_ =	shalt  }
0x76: {  	_ =	shalt  }
0x77: {  	_ =	shalt  }
0x78: {  	_ =	shalt  }
0x79: {  	_ =	shalt  }
0x7a: {  	_ =	shalt  }
0x7b: {  	_ =	shalt  }
0x7c: {  	_ =	shalt  }
0x7d: {  	_ =	shalt  }
0x7e: {  	_ =	shalt  }
0x7f: {  	_ =	shalt  }
0x80: {  	_ =	shalt  }
0x81: {  	_ =	shalt  }
0x82: {  	_ =	shalt  }
0x83: {  	_ =	shalt  }
0x84: {  	_ =	shalt  }
0x85: {  	_ =	shalt  }
0x86: {  	_ =	shalt  }
0x87: {  	_ =	shalt  }
.Lfunc_end0:
.L_simem_size_0:
called_computation.2_lowered:
.L_overlay_start_0:
0x88: {  	s2 =	sld [smem:$0x3FD9]  }
0x89: {  	s3 =	sld [smem:$0x3FFE];
	_ =	sdelay $0x1  }
0x8a: {  	s1 =	srdreg.scid  }
0x8b: {  	s0 =	sand.u32 $0x1, s1  }
0x8c: {  	s17 =	sshll.u32 s0, $0xA;
	s2 =	sadd.s32 s3, s2  }
0x8d: {  	s2 =	sadd.s32 s2, s17  }
0x8e: {  	[smem:$0x3FC2] =	sst s2  }
0x8f: {  	_ = 	snop  }
0x90: {  	s2 =	sld [smem:$0x3FD0];
	(tm) =	ssettm $0x1  }
0x91: {  	s18 =	sld [smem:$0x3FFB];
	_ =	sdelay $0x3  }
0x92: {  	_ =	strace s18  }
0x93: {  	s3 =	sld [smem:$0x3FFC];
	_ =	sdelay $0x3  }
0x94: {  	_ =	strace s3  }
0x95: {  	s3 =	sld [smem:$0x3FFD];
	_ =	sdelay $0x3  }
0x96: {  	_ =	strace s3  }
0x97: {  	_ =	strace $0x8FFFFFFF  }
0x98: {  	s19 =	sld [smem:$0x3FDB];
	_ =	sdelay $0x1  }
0x99: {  	s4 =	simm.s32 $_scs_section_size  }
0x9a: {  	s5 =	simm.s32 $_size__tile_overlayer_lowered;
	s6 =	simm.s32 $_tile_overlayer_lowered  }
0x9b: {  	s22 =	simm.s32 $0x1BFF;
	s21 =	sshll.u32 s6, $0x1;
	s3 =	sadd.s32 s4, s19  }
0x9c: {  	s7 =	simm.s32 $0x0;
	s20 =	sshll.u32 s5, $0x1;
	s5 =	sadd.s32 s21, s3  }
0x9d: {  	[timem:s7], [sflag:s22] =	dma.local [hbm:s5], s20  }
0x9e: {  	_ =	swait.ge [sflag:s22], s20  }
0x9f: {  	s4 =	ssub.s32 $0x0, s20;
	[sflag:s22] =	ssyncset.done $0x0  }
0xa0: {  	[sflag:s22] =	ssyncadd.s32 s4;
	_ =	sdelay $0x1  }
0xa1: {  	s23 =	simm.s32 $0x1B8B  }
0xa2: {  	_ =	swait.ge [sflag:s23], $0x1  }
0xa3: {  	[sflag:s23] =	ssyncset.done $0x0  }
0xa4: {  	s25 =	simm.s32 $0x1B8E;
	s24 =	sld [smem:$0x3FFE];
	[sflag:s23] =	ssyncadd.s32 $0xFFFFFFFF  }
0xa5: {  	s26 =	simm.s32 $execute0_lowered;
	[smem:$0x3FD2] =	sst s25  }
0xa6: {  	s5 =	sshll.u32 s26, $0x1;
	_ =	strace $0x8000004C;
	[dreg:$0x1] =	wrdreg $0xFFFFFFFF  }
0xa7: {  	s28 =	simm.s32 $_size_execute0_lowered;
	s3 =	sadd.s32 s3, s5;
	[dreg:$0x0] =	wrdreg $0x0  }
0xa8: {  	s5 =	sshll.u32 s28, $0x1;
	[dreg:$0x2] =	wrdreg s3  }
0xa9: {  	[dreg:$0x3] =	wrdreg s5  }
0xaa: {  	[dreg:$0x4] =	wrdreg $0xC0  }
0xab: {  	_ =	task [dreg:s7], $0x5FFFF  }
0xac: {  	[dreg:$0x1] =	wrdreg $0xFFFFFFFF  }
0xad: {  	[dreg:$0x0] =	wrdreg $0x60  }
0xae: {  	[dreg:$0x2] =	wrdreg s2  }
0xaf: {  	[dreg:$0x3] =	wrdreg s24  }
0xb0: {  	[dreg:$0x4] =	wrdreg $0x66000  }
0xb1: {  	[dreg:$0x5] =	wrdreg $0x9  }
0xb2: {  	_ =	task.clear_ibuf [dreg:s7], $0x6FFFF;
	_ =	strace $0x9000004C  }
0xb3: {  	s29 =	simm.s32 $0x9;
	_ =	strace $0x8000004E  }
0xb4: {  	_ =	swait.ge [sflag:s29], $0x1  }
0xb5: {  	[sflag:s29] =	ssyncadd.s32 $0xFFFFFFFF  }
0xb6: {  	_ =	strace $0x9000004E  }
0xb7: {  	_ =	sfence  }
0xb8: {  	s30 =	sld [smem:$0x0];
	_ =	sdelay $0x2  }
0xb9: {  	s31 =	sshll.u32 s1, $0xD;
	s1 =	sshrl.u32 s1, $0x2  }
0xba: {  	s3 =	sand.u32 $0x4000, s31;
	s1 =	sadd.s32 s1, s30  }
0xbb: {  	s0 =	sor.u32 s3, s0;
	s1 =	sshll.u32 s1, $0x11  }
0xbc: {  	s0 =	sor.u32 s1, s0  }
0xbd: {  	s0 =	sadd.s32 $0x8F2B, s0  }
0xbe: {  	[sflag:s0] =	ssyncadd.remote.s32 $0x1  }
0xbf: {  	_ =	sfence.sel $0xFFFF  }
0xc0: {  	[dreg:$0x0] =	wrdreg $0xFFFFFFFF;
	(pc) =	sbr.abs _section_cstart, $3  }
0xc1: {  	[dreg:$0x1] =	wrdreg $0xFFFFFFFF  }
0xc2: {  	_ =	task.clear_ibuf [dreg:s7], $0x2FFFF;
	_ =	strace $0x9FFFFFFF  }
0xc3: {  	(tm) =	ssettm $0x7FFFFFFF  }
tec
execute0_lowered:
.L_overlay_start_1:
0x0: {  	(tag) =	ssettag $0x1  }
0x1: {  	s1 =	rddreg [dreg:$0x0]  }
0x2: {  	s2 =	srdreg.scid;
	s5 =	rddreg [dreg:$0x1]  }
0x3: {  	s0 =	stileid.u32;
	s3 =	rddreg [dreg:$0x2];
	s4 =	simm.s32 $0x0  }
0x4: {  	s13 =	simm.s32 $0x100;
	s14 =	simm.s32 $0xC8;
	s7 =	smul.u32 $0x4E20, s0  }
0x5: {  	s15 =	simm.s32 $0x200;
	s16 =	simm.s32 $0x1;
	s26 =	smul.u32 $0x14000, s0  }
0x6: {  	s6 =	sand.u32 $0x1, s2;
	s2 =	rddreg [dreg:$0x3];
	s29 =	smul.u32 $0x50000, s0  }
0x7: {  	s17 =	simm.s32 $0x0;
	[smem:$0x7FF] =	sst s4;
	s8 =	smul.u32 $0x2710, s6  }
0x8: {  	s31 =	sshll.u32 s0, $0x6;
	s9 =	smul.u32 $0x140000, s6;
	s6 =	ssub.s32 $0x2, s6  }
0x9: {  	_ =	strace $0x8000004D;
	s28 =	sshrl.u32 s26, $0x3;
	s11 =	sshrl.u32 s6, $0x1  }
0xa: {  	s30 =	sshrl.u32 s29, $0x2;
	s7 =	sadd.s32 s8, s7;
	s8 =	sadd.s32 s26, s9  }
0xb: {  	s11 =	ssub.s32 s6, s11;
	s12 =	sadd.s32 s30, s3;
	s7 =	sshrl.u32 s7, $0x3  }
0xc: {  	s8 =	sshrl.u32 s8, $0x3;
	s10 =	sadd.s32 s7, s5;
	s7 =	sadd.s32 s28, s5  }
0xd: {  	s6 =	sor.u32 $0x1C02, s31;
	s8 =	sadd.s32 s8, s5;
	s5 =	sadd.s32 $0x3E200, s7  }
0xe: {  	s7 =	sadd.s32 $0x66200, s8;
	s8 =	smax.u32 s11, $0x1;
	s9 =	sadd.s32 $0xD200, s10  }
0xf: {  	s10 =	sadd.s32 $0x3400, s10;
	s11 =	sshrl.u32 s12, $0x3;
	s12 =	simm.s32 $0x2  }
.LBB2_1:
0x10: {  	[spmem:s11], [sflag:s6] =	dma.local [hbm:s5], $0x2800  }
0x11: {  	_ =	swait.ge [sflag:s12], $0x2800  }
0x12: {  	[sflag:s12] =	ssyncset.done $0x0  }
0x13: {  	[sflag:s12] =	ssyncadd.s32 $0xFFFFD800  }
0x14: {  	s18 =	sadd.s32 $0x0, s10;
	[bflag:$0x0] =	sbarrier.arrive $0xFFFF  }
0x15: {  	[tilespmem:s4], [sflag:$0x2] =	stream.linear.gather [hbm4b:s18+s4], $0xC8, $0x38;
	[tilespmem:$0x1A600] =	vst v63  }
0x16: {  	_ =	swait.ge [sflag:s12], $0xC8  }
0x17: {  	[sflag:s12] =	ssyncset.done $0x0  }
0x18: {  	s31 =	sadd.s32 $0x0, s9;
	[sflag:s12] =	ssyncadd.s32 $0xFFFFFF38  }
0x19: {  	[tilespmem:s13], [sflag:$0x2] =	stream.linear.gather [hbm4b:s31+s4], $0xC8, $0x38;
	[tilespmem:$0x1A600] =	vst v63  }
0x1a: {  	_ =	swait.ge [sflag:s12], $0xC8  }
0x1b: {  	[sflag:s12] =	ssyncset.done $0x0  }
0x1c: {  	[sflag:s12] =	ssyncadd.s32 $0xFFFFFF38  }
0x1d: {  	[tilespmem:s15], [sflag:$0x1] =	stream.indirect.gather [hbm4b:s1+s14], $0x80, s4, s14, $0xb8;
	[tilespmem:$0x1A600] =	vst v63  }
0x1e: {  	_ =	swait.ge [sflag:s16], $0x6400  }
0x1f: {  	[sflag:s16] =	ssyncset.done $0x0  }
0x20: {  	[sflag:s16] =	ssyncadd.s32 $0xFFFF9C00  }
0x21: {  	[spmem:s3] =	stream.indirect.scatter.add.f32 [tilespmem:s15], [sflag:$0x2], $0x80, s13, s14, $0xb8;
	[tilespmem:$0x1A600] =	vst v63  }
0x22: {  	_ =	swait.ge [sflag:s12], $0x6400  }
0x23: {  	s19 =	simm.s32 $0x32;
	s18 =	simm.s32 $0x19;
	[sflag:s12] =	ssyncset.done $0x0  }
.LBB2_2:
0x24: {  	s20 =	sadd.s32 s18, s10  }
0x25: {  	[sflag:s12] =	ssyncadd.s32 $0xFFFF9C00;
	s21 =	smov.u32 s19;
	s22 =	sadd.s32 $0x19, s19  }
0x26: {  	[tilespmem:s4], [sflag:$0x2] =	stream.linear.gather [hbm4b:s20+s4], $0xC8, $0x38;
	[tilespmem:$0x1A600] =	vst v63  }
0x27: {  	p0 =	sne.s32 s19, $0x4C9;
	_ =	swait.ge [sflag:s12], $0xC8  }
0x28: {  	[sflag:s12] =	ssyncset.done $0x0  }
0x29: {  	s19 =	sadd.s32 s18, s9;
	s18 =	smov.u32 s21;
	[sflag:s12] =	ssyncadd.s32 $0xFFFFFF38  }
0x2a: {  	[tilespmem:s13], [sflag:$0x2] =	stream.linear.gather [hbm4b:s19+s4], $0xC8, $0x38;
	[tilespmem:$0x1A600] =	vst v63  }
0x2b: {  	_ =	swait.ge [sflag:s12], $0xC8  }
0x2c: {  	[sflag:s12] =	ssyncset.done $0x0  }
0x2d: {  	[sflag:s12] =	ssyncadd.s32 $0xFFFFFF38  }
0x2e: {  	[tilespmem:s15], [sflag:$0x1] =	stream.indirect.gather [hbm4b:s1+s14], $0x80, s4, s14, $0xb8;
	[tilespmem:$0x1A600] =	vst v63  }
0x2f: {  	_ =	swait.ge [sflag:s16], $0x6400  }
.Ltmp0:
0x30: {  	[sflag:s16] =	ssyncset.done $0x0;
	(pc) =	sbr.rel @p0 .LBB2_2-.Ltmp0, $4  }
0x31: {  	[sflag:s16] =	ssyncadd.s32 $0xFFFF9C00  }
0x32: {  	[spmem:s3] =	stream.indirect.scatter.add.f32 [tilespmem:s15], [sflag:$0x2], $0x80, s13, s14, $0xb8;
	[tilespmem:$0x1A600] =	vst v63  }
0x33: {  	_ =	swait.ge [sflag:s12], $0x6400  }
0x34: {  	s19 =	smov.u32 s22;
	[sflag:s12] =	ssyncset.done $0x0  }
0x35: {  	s19 =	sadd.s32 s18, s10;
	[sflag:s12] =	ssyncadd.s32 $0xFFFF9C00  }
0x36: {  	[tilespmem:s4], [sflag:$0x2] =	stream.linear.gather [hbm4b:s19+s4], $0xC8, $0x38;
	[tilespmem:$0x1A600] =	vst v63  }
0x37: {  	_ =	swait.ge [sflag:s12], $0xC8  }
0x38: {  	[sflag:s12] =	ssyncset.done $0x0  }
0x39: {  	s31 =	sadd.s32 s18, s9;
	[sflag:s12] =	ssyncadd.s32 $0xFFFFFF38  }
0x3a: {  	[tilespmem:s13], [sflag:$0x2] =	stream.linear.gather [hbm4b:s31+s4], $0xC8, $0x38;
	[tilespmem:$0x1A600] =	vst v63  }
0x3b: {  	_ =	swait.ge [sflag:s12], $0xC8  }
0x3c: {  	[sflag:s12] =	ssyncset.done $0x0  }
0x3d: {  	[sflag:s12] =	ssyncadd.s32 $0xFFFFFF38  }
0x3e: {  	[tilespmem:s15], [sflag:$0x1] =	stream.indirect.gather [hbm4b:s1+s14], $0x80, s4, s14, $0xb8;
	[tilespmem:$0x1A600] =	vst v63  }
0x3f: {  	_ =	swait.ge [sflag:s16], $0x6400  }
0x40: {  	[sflag:s16] =	ssyncset.done $0x0  }
0x41: {  	[sflag:s16] =	ssyncadd.s32 $0xFFFF9C00  }
0x42: {  	[spmem:s3] =	stream.indirect.scatter.add.f32 [tilespmem:s15], [sflag:$0x2], $0x80, s13, s14, $0xb8;
	[tilespmem:$0x1A600] =	vst v63  }
0x43: {  	_ =	swait.ge [sflag:s12], $0x6400  }
0x44: {  	s17 =	sadd.s32 $0x1, s17;
	[sflag:s12] =	ssyncset.done $0x0  }
0x45: {  	p0 =	sne.s32 s17, s8;
	[sflag:s12] =	ssyncadd.s32 $0xFFFF9C00  }
.Ltmp1:
0x46: {  	[bflag:$0x0] =	sbarrier.arrive $0xFFFF;
	(pc) =	sbr.rel @p0 .LBB2_1-.Ltmp1, $4  }
0x47: {  	[hbm:s7], [sflag:s6] =	dma.local [spmem:s11], $0x2800  }
0x48: {  	_ =	swait.ge [sflag:s12], $0x2800  }
0x49: {  	[sflag:s12] =	ssyncset.done $0x0  }
0x4a: {  	[sflag:s12] =	ssyncadd.s32 $0xFFFFD800  }
0x4b: {  	_ =	sfence.sel $0x180000  }
0x4c: {  	[bflag:$0x0] =	sbarrier.arrive $0xFFFF  }
0x4d: {  	p0 =	sne.s32 s0, $0x0;
	_ =	strace $0x9000004D  }
0x4e: {  	s0 =	sadd.s32 @!p0 $0x100000, s2;
	[bflag:$0x2] =	sbarrier.arrive $0xFFFF  }
0x4f: {  	[sflag:s0] =	ssyncadd.tile.s32 @!p0 $0x1;
	_ =	shalt  }
.Lfunc_end2:
_tile_overlayer_lowered:
.L_overlay_start_2:
0x50: {  	(tag) =	ssettag $0x2  }
0x51: {  	s0 =	rddreg [dreg:$0x0];
	s2 =	stileid.u32  }
0x52: {  	s1 =	rddreg [dreg:$0x1];
	p0 =	sne.s32 s2, $0x0  }
0x53: {  	s3 =	rddreg [dreg:$0x2];
	[bflag:$0x3] =	sbarrier.arrive $0xFFFF;
	s2 =	simm.s32 @!p0 $0x1C02  }
0x54: {  	[timem:s3], [sflag:s2] =	dma.local @!p0 [hbm:s0], s1  }
0x55: {  	s0 =	simm.s32 @!p0 $0x2  }
0x56: {  	_ =	swait.ge @!p0 [sflag:s0], s1  }
0x57: {  	s1 =	ssub.s32 @!p0 $0x0, s1;
	[sflag:s0] =	ssyncset.done @!p0 $0x0  }
0x58: {  	[sflag:s0] =	ssyncadd.s32 @!p0 s1  }
0x59: {  	[bflag:$0x3] =	sbarrier.arrive $0xFFFF  }
0x5a: {  	_ =	shalt  }

// kernel: kernel.9.cloned.1.call-start
scs
__scs_entry_jumppad:
0x0: {  	(pc) =	sbr.rel $0x88, $3  }
0x1: {  	(tag) =	ssettag $0x0;
	lr =	simm.s32 $0x1  }
0x2: {  	[smem:$0x3F9B] =	sst lr;
	_ =	strace $0xD0000000  }
0x3: {  	_ = 	snop  }
0x4: {  	_ = 	snop  }
0x5: {  	_ = 	snop  }
0x6: {  	_ = 	snop  }
0x7: {  	_ = 	snop  }
__scs_overlays_trampoline_lowered:
0x8: {  	[smem:$0x3FAA] =	sst s0  }
0x9: {  	[smem:$0x3FAB] =	sst s1  }
0xa: {  	[smem:$0x3FAC] =	sst s2  }
0xb: {  	[smem:$0x3FAD] =	sst s3  }
0xc: {  	[smem:$0x3FAE] =	sst s4  }
0xd: {  	[smem:$0x3FAF] =	sst s5  }
0xe: {  	[smem:$0x3FB0] =	sst s6  }
0xf: {  	[smem:$0x3FB1] =	sst s7  }
0x10: {  	[smem:$0x3FB2] =	sst s8  }
0x11: {  	[smem:$0x3FB3] =	sst s9;
	s0 =	simm.s32 @!p0 $0x0  }
0x12: {  	s1 =	sld [smem:$0x3F99];
	s0 =	simm.s32 @p0 $0x1  }
0x13: {  	[smem:$0x3FB4] =	sst s0;
	s0 =	simm.s32 @!p1 $0x0  }
0x14: {  	s2 =	sld [smem:$0x3F98];
	s0 =	simm.s32 @p1 $0x1  }
0x15: {  	[smem:$0x3FB5] =	sst s0;
	s0 =	simm.s32 @!p2 $0x0  }
0x16: {  	s3 =	sld [smem:$0x3FDB];
	s0 =	simm.s32 @p2 $0x1  }
0x17: {  	s4 =	simm.s32 $0x1BF5;
	[smem:$0x3FB7] =	sst s0  }
0x18: {  	s0 =	sld [smem:$0x3F9A];
	_ =	swait.ge [sflag:s4], $0x0  }
0x19: {  	s7 =	sld [smem:$0x3F9B]  }
0x1a: {  	s8 =	sadd.s32 $0xFFFFE003, lr  }
0x1b: {  	s9 =	sadd.s32 $0xFFFFFEF7, lr;
	s5 =	simm.s32 $0xFFFFFFFF;
	p2 =	slt.u32 s8, $0xFFFFF086  }
0x1c: {  	p1 =	slt.u32 s9, $0xF7A;
	s5 =	simm.s32 @!p2 $0x0  }
0x1d: {  	s5 =	simm.s32 @p1 $0x1;
	p0 =	seq.s32 s7, s2  }
0x1e: {  	s7 =	smul.u32 @!p0 $0xF7A, s2;
	p2 =	seq.s32 @!p0 s5, $0x0  }
0x1f: {  	s9 =	smul.u32 $0xF7A, s1;
	s8 =	simm.s32 @!p0 $0x1BF5;
	p2 =	por !p2, p0  }
0x20: {  	[sflag:s8] =	ssyncset.s32 @!p0 $0xFFFFF086;
	s6 =	sadd.s32 @!p0 s3, s7;
	s7 =	simm.s32 @!p0 $0x108  }
0x21: {  	s3 =	sadd.s32 s3, s9;
	s6 =	sadd.s32 @!p0 $0x88, s6;
	s7 =	simm.s32 @p2 $0x1082  }
0x22: {  	[simem:s7], [sflag:s8] =	dma.local @!p0 [hbm:s6], $0xF7A  }
0x23: {  	s9 =	sor.u32 $0xD0000000, s2;
	s6 =	simm.s32 $0x108;
	_ =	swait.ge @!p0 [sflag:s8], $0x0  }
0x24: {  	s3 =	sadd.s32 $0x88, s3;
	s6 =	simm.s32 @!p1 $0x1082;
	[sflag:s4] =	ssyncset.s32 $0xFFFFF086  }
0x25: {  	[simem:s6], [sflag:s4] =	dma.local [hbm:s3], $0xF7A  }
0x26: {  	[smem:$0x3F9B] =	sst s1;
	(tag) =	ssettag s2;
	_ =	strace s9  }
0x27: {  	s1 =	sld [smem:$0x3FAB]  }
0x28: {  	s2 =	sld [smem:$0x3FAC]  }
0x29: {  	s4 =	sld [smem:$0x3FAE]  }
0x2a: {  	p0 =	seq.s32 s5, $0x0;
	s5 =	sld [smem:$0x3FAF]  }
0x2b: {  	s6 =	sld [smem:$0x3FB0]  }
0x2c: {  	s7 =	sld [smem:$0x3FB1]  }
0x2d: {  	s3 =	simm.s32 $0x108;
	s8 =	sld [smem:$0x3FB2]  }
0x2e: {  	s3 =	simm.s32 @!p0 $0x1082;
	s9 =	sld [smem:$0x3FB3]  }
0x2f: {  	lr =	sadd.s32 s0, s3;
	s0 =	sld [smem:$0x3FAA]  }
0x30: {  	s3 =	sld [smem:$0x3FAD]  }
0x31: {  	[smem:$0x3FB6] =	sst s10  }
0x32: {  	s10 =	sld [smem:$0x3FB4];
	_ =	sdelay $0x3  }
0x33: {  	p0 =	seq.s32 s10, $0x1;
	s10 =	sld [smem:$0x3FB6];
	_ =	sdelay $0x3  }
0x34: {  	[smem:$0x3FB6] =	sst s10  }
0x35: {  	s10 =	sld [smem:$0x3FB5];
	_ =	sdelay $0x3  }
0x36: {  	p1 =	seq.s32 s10, $0x1;
	s10 =	sld [smem:$0x3FB6];
	_ =	sdelay $0x3  }
0x37: {  	[smem:$0x3FB6] =	sst s10  }
0x38: {  	s10 =	sld [smem:$0x3FB7]  }
0x39: {  	_ = 	snop;
	(pc) =	sbr.ind lr, $3  }
0x3a: {  	_ = 	snop  }
0x3b: {  	_ = 	snop  }
0x3c: {  	p2 =	seq.s32 s10, $0x1;
	s10 =	sld [smem:$0x3FB6]  }
0x3d: {  	_ =	shalt  }
0x3e: {  	_ =	shalt  }
0x3f: {  	_ =	shalt  }
0x40: {  	_ =	shalt  }
0x41: {  	_ =	shalt  }
0x42: {  	_ =	shalt  }
0x43: {  	_ =	shalt  }
0x44: {  	_ =	shalt  }
0x45: {  	_ =	shalt  }
0x46: {  	_ =	shalt  }
0x47: {  	_ =	shalt  }
0x48: {  	_ =	shalt  }
0x49: {  	_ =	shalt  }
0x4a: {  	_ =	shalt  }
0x4b: {  	_ =	shalt  }
0x4c: {  	_ =	shalt  }
0x4d: {  	_ =	shalt  }
0x4e: {  	_ =	shalt  }
0x4f: {  	_ =	shalt  }
0x50: {  	_ =	shalt  }
0x51: {  	_ =	shalt  }
0x52: {  	_ =	shalt  }
0x53: {  	_ =	shalt  }
0x54: {  	_ =	shalt  }
0x55: {  	_ =	shalt  }
0x56: {  	_ =	shalt  }
0x57: {  	_ =	shalt  }
0x58: {  	_ =	shalt  }
0x59: {  	_ =	shalt  }
0x5a: {  	_ =	shalt  }
0x5b: {  	_ =	shalt  }
0x5c: {  	_ =	shalt  }
0x5d: {  	_ =	shalt  }
0x5e: {  	_ =	shalt  }
0x5f: {  	_ =	shalt  }
0x60: {  	_ =	shalt  }
0x61: {  	_ =	shalt  }
0x62: {  	_ =	shalt  }
0x63: {  	_ =	shalt  }
0x64: {  	_ =	shalt  }
0x65: {  	_ =	shalt  }
0x66: {  	_ =	shalt  }
0x67: {  	_ =	shalt  }
0x68: {  	_ =	shalt  }
0x69: {  	_ =	shalt  }
0x6a: {  	_ =	shalt  }
0x6b: {  	_ =	shalt  }
0x6c: {  	_ =	shalt  }
0x6d: {  	_ =	shalt  }
0x6e: {  	_ =	shalt  }
0x6f: {  	_ =	shalt  }
0x70: {  	_ =	shalt  }
0x71: {  	_ =	shalt  }
0x72: {  	_ =	shalt  }
0x73: {  	_ =	shalt  }
0x74: {  	_ =	shalt  }
0x75: {  	_ =	shalt  }
0x76: {  	_ =	shalt  }
0x77: {  	_ =	shalt  }
0x78: {  	_ =	shalt  }
0x79: {  	_ =	shalt  }
0x7a: {  	_ =	shalt  }
0x7b: {  	_ =	shalt  }
0x7c: {  	_ =	shalt  }
0x7d: {  	_ =	shalt  }
0x7e: {  	_ =	shalt  }
0x7f: {  	_ =	shalt  }
0x80: {  	_ =	shalt  }
0x81: {  	_ =	shalt  }
0x82: {  	_ =	shalt  }
0x83: {  	_ =	shalt  }
0x84: {  	_ =	shalt  }
0x85: {  	_ =	shalt  }
0x86: {  	_ =	shalt  }
0x87: {  	_ =	shalt  }
.Lfunc_end0:
.L_simem_size_0:
called_computation_lowered:
.L_overlay_start_0:
0x88: {  	s2 =	sld [smem:$0x3FD9]  }
0x89: {  	s3 =	sld [smem:$0x3FFE];
	_ =	sdelay $0x1  }
0x8a: {  	s1 =	srdreg.scid  }
0x8b: {  	s0 =	sand.u32 $0x1, s1  }
0x8c: {  	s17 =	sshll.u32 s0, $0xA;
	s2 =	sadd.s32 s3, s2  }
0x8d: {  	s2 =	sadd.s32 s2, s17  }
0x8e: {  	[smem:$0x3FC2] =	sst s2  }
0x8f: {  	_ = 	snop  }
0x90: {  	s2 =	sld [smem:$0x3FD0];
	(tm) =	ssettm $0x1  }
0x91: {  	s18 =	sld [smem:$0x3FFB];
	_ =	sdelay $0x3  }
0x92: {  	_ =	strace s18  }
0x93: {  	s3 =	sld [smem:$0x3FFC];
	_ =	sdelay $0x3  }
0x94: {  	_ =	strace s3  }
0x95: {  	s3 =	sld [smem:$0x3FFD];
	_ =	sdelay $0x3  }
0x96: {  	_ =	strace s3  }
0x97: {  	_ =	strace $0x8FFFFFFF  }
0x98: {  	s19 =	sld [smem:$0x3FDB];
	_ =	sdelay $0x1  }
0x99: {  	s4 =	simm.s32 $_scs_section_size  }
0x9a: {  	s5 =	simm.s32 $_size__tile_overlayer_lowered;
	s6 =	simm.s32 $_tile_overlayer_lowered  }
0x9b: {  	s22 =	simm.s32 $0x1BFF;
	s21 =	sshll.u32 s6, $0x1;
	s3 =	sadd.s32 s4, s19  }
0x9c: {  	s7 =	simm.s32 $0x0;
	s20 =	sshll.u32 s5, $0x1;
	s5 =	sadd.s32 s21, s3  }
0x9d: {  	[timem:s7], [sflag:s22] =	dma.local [hbm:s5], s20  }
0x9e: {  	_ =	swait.ge [sflag:s22], s20  }
0x9f: {  	s4 =	ssub.s32 $0x0, s20;
	[sflag:s22] =	ssyncset.done $0x0  }
0xa0: {  	[sflag:s22] =	ssyncadd.s32 s4;
	_ =	sdelay $0x1  }
0xa1: {  	s23 =	simm.s32 $0x1B8B  }
0xa2: {  	_ =	swait.ge [sflag:s23], $0x1  }
0xa3: {  	[sflag:s23] =	ssyncset.done $0x0  }
0xa4: {  	s25 =	simm.s32 $0x1B8E;
	s24 =	sld [smem:$0x3FFE];
	[sflag:s23] =	ssyncadd.s32 $0xFFFFFFFF  }
0xa5: {  	s26 =	simm.s32 $execute0_lowered;
	[smem:$0x3FD2] =	sst s25  }
0xa6: {  	s5 =	sshll.u32 s26, $0x1;
	_ =	strace $0x80000046;
	[dreg:$0x1] =	wrdreg $0xFFFFFFFF  }
0xa7: {  	s28 =	simm.s32 $_size_execute0_lowered;
	s3 =	sadd.s32 s3, s5;
	[dreg:$0x0] =	wrdreg $0x0  }
0xa8: {  	s5 =	sshll.u32 s28, $0x1;
	[dreg:$0x2] =	wrdreg s3  }
0xa9: {  	[dreg:$0x3] =	wrdreg s5  }
0xaa: {  	[dreg:$0x4] =	wrdreg $0xC0  }
0xab: {  	_ =	task [dreg:s7], $0x5FFFF  }
0xac: {  	[dreg:$0x1] =	wrdreg $0xFFFFFFFF  }
0xad: {  	[dreg:$0x0] =	wrdreg $0x60  }
0xae: {  	[dreg:$0x2] =	wrdreg s24  }
0xaf: {  	[dreg:$0x3] =	wrdreg s2  }
0xb0: {  	[dreg:$0x4] =	wrdreg $0x10000  }
0xb1: {  	[dreg:$0x5] =	wrdreg $0x9  }
0xb2: {  	_ =	task.clear_ibuf [dreg:s7], $0x6FFFF;
	_ =	strace $0x90000046  }
0xb3: {  	s29 =	simm.s32 $0x9;
	_ =	strace $0x80000048  }
0xb4: {  	_ =	swait.ge [sflag:s29], $0x1  }
0xb5: {  	[sflag:s29] =	ssyncadd.s32 $0xFFFFFFFF  }
0xb6: {  	_ =	strace $0x90000048  }
0xb7: {  	_ =	sfence  }
0xb8: {  	s30 =	sld [smem:$0x0];
	_ =	sdelay $0x2  }
0xb9: {  	s31 =	sshll.u32 s1, $0xD;
	s1 =	sshrl.u32 s1, $0x2  }
0xba: {  	s3 =	sand.u32 $0x4000, s31;
	s1 =	sadd.s32 s1, s30  }
0xbb: {  	s0 =	sor.u32 s3, s0;
	s1 =	sshll.u32 s1, $0x11  }
0xbc: {  	s0 =	sor.u32 s1, s0  }
0xbd: {  	s0 =	sadd.s32 $0x8F2B, s0  }
0xbe: {  	[sflag:s0] =	ssyncadd.remote.s32 $0x1  }
0xbf: {  	_ =	sfence.sel $0xFFFF  }
0xc0: {  	[dreg:$0x0] =	wrdreg $0xFFFFFFFF;
	(pc) =	sbr.abs _section_cstart, $3  }
0xc1: {  	[dreg:$0x1] =	wrdreg $0xFFFFFFFF  }
0xc2: {  	_ =	task.clear_ibuf [dreg:s7], $0x2FFFF;
	_ =	strace $0x9FFFFFFF  }
0xc3: {  	(tm) =	ssettm $0x7FFFFFFF  }
tec
execute0_lowered:
.L_overlay_start_1:
0x0: {  	(tag) =	ssettag $0x1  }
0x1: {  	s10 =	rddreg [dreg:$0x0]  }
0x2: {  	s16 =	rddreg [dreg:$0x1]  }
0x3: {  	s2 =	rddreg [dreg:$0x2]  }
0x4: {  	s0 =	rddreg [dreg:$0x3]  }
0x5: {  	s4 =	srdreg.scid;
	s1 =	stileid.u32  }
0x6: {  	s3 =	simm.s32 $0x0;
	s6 =	simm.s32 $0x800;
	s5 =	simm.s32 $0x1  }
0x7: {  	s17 =	sand.u32 $0x1, s4;
	s29 =	sshll.u32 s1, $0x1;
	[smem:$0x7FF] =	sst s3  }
0x8: {  	s7 =	smul.u32 $0x280, s1;
	s30 =	sshll.u32 s1, $0x6;
	s4 =	sor.u32 s17, s29  }
0x9: {  	_ =	strace $0x80000047;
	s11 =	smul.u32 $0x2710, s4;
	s4 =	sadd.s32 $0x17000, s10  }
0xa: {  	[tilespmem:s6], [sflag:$0x1] =	stream.linear.gather [hbm4b:s4+s3], $0x800, $0x38;
	[tilespmem:$0x1280] =	vst v63  }
0xb: {  	s8 =	sshrl.u32 s7, $0x3;
	s9 =	sadd.s32 s7, s2;
	_ =	swait.ge [sflag:s5], $0x800  }
0xc: {  	s8 =	sadd.s32 s8, s10;
	s9 =	sshrl.u32 s9, $0x3;
	[sflag:s5] =	ssyncset.done $0x0  }
0xd: {  	s7 =	sadd.s32 $0x17200, s8;
	s8 =	sor.u32 $0x1C01, s30;
	[sflag:s5] =	ssyncadd.s32 $0xFFFFF800  }
0xe: {  	[spmem:s9], [sflag:s8] =	dma.local [hbm:s7], $0x50  }
0xf: {  	_ =	swait.ge [sflag:s5], $0x50  }
0x10: {  	s11 =	sshrl.u32 s11, $0x3;
	[sflag:s5] =	ssyncset.done $0x0  }
0x11: {  	s15 =	sadd.s32 s11, s10;
	[sflag:s5] =	ssyncadd.s32 $0xFFFFFFB0  }
0x12: {  	s10 =	sadd.s32 $0xD200, s15;
	[bflag:$0x0] =	sbarrier.arrive $0xFFFF  }
0x13: {  	[tilespmem:s3], [sflag:$0x1] =	stream.linear.gather [hbm4b:s10+s3], $0x7D0, $0x38;
	[tilespmem:$0x1280] =	vst v63  }
0x14: {  	_ =	swait.ge [sflag:s5], $0x7D0  }
0x15: {  	[sflag:s5] =	ssyncset.done $0x0  }
0x16: {  	s11 =	simm.s32 $0x7D0;
	[sflag:s5] =	ssyncadd.s32 $0xFFFFF830  }
0x17: {  	[spmem:s2] =	stream.indirect.scatter.add.f32 [tilespmem:s6], [sflag:$0x1], $0x1, s3, s11, $0xb8;
	[tilespmem:$0x1280] =	vst v63  }
0x18: {  	_ =	swait.ge [sflag:s5], $0x7D0  }
0x19: {  	[sflag:s5] =	ssyncset.done $0x0  }
0x1a: {  	s12 =	sadd.s32 $0xD2FA, s15;
	[sflag:s5] =	ssyncadd.s32 $0xFFFFF830  }
0x1b: {  	[tilespmem:s3], [sflag:$0x1] =	stream.linear.gather [hbm4b:s12+s3], $0x7D0, $0x38;
	[tilespmem:$0x1280] =	vst v63  }
0x1c: {  	_ =	swait.ge [sflag:s5], $0x7D0  }
0x1d: {  	[sflag:s5] =	ssyncset.done $0x0  }
0x1e: {  	[sflag:s5] =	ssyncadd.s32 $0xFFFFF830  }
0x1f: {  	[spmem:s2] =	stream.indirect.scatter.add.f32 [tilespmem:s6], [sflag:$0x1], $0x1, s3, s11, $0xb8;
	[tilespmem:$0x1280] =	vst v63  }
0x20: {  	_ =	swait.ge [sflag:s5], $0x7D0  }
0x21: {  	[sflag:s5] =	ssyncset.done $0x0  }
0x22: {  	s13 =	sadd.s32 $0xD3F4, s15;
	[sflag:s5] =	ssyncadd.s32 $0xFFFFF830  }
0x23: {  	[tilespmem:s3], [sflag:$0x1] =	stream.linear.gather [hbm4b:s13+s3], $0x7D0, $0x38;
	[tilespmem:$0x1280] =	vst v63  }
0x24: {  	_ =	swait.ge [sflag:s5], $0x7D0  }
0x25: {  	[sflag:s5] =	ssyncset.done $0x0  }
0x26: {  	[sflag:s5] =	ssyncadd.s32 $0xFFFFF830  }
0x27: {  	[spmem:s2] =	stream.indirect.scatter.add.f32 [tilespmem:s6], [sflag:$0x1], $0x1, s3, s11, $0xb8;
	[tilespmem:$0x1280] =	vst v63  }
0x28: {  	_ =	swait.ge [sflag:s5], $0x7D0  }
0x29: {  	[sflag:s5] =	ssyncset.done $0x0  }
0x2a: {  	s14 =	sadd.s32 $0xD4EE, s15;
	[sflag:s5] =	ssyncadd.s32 $0xFFFFF830  }
0x2b: {  	[tilespmem:s3], [sflag:$0x1] =	stream.linear.gather [hbm4b:s14+s3], $0x7D0, $0x38;
	[tilespmem:$0x1280] =	vst v63  }
0x2c: {  	_ =	swait.ge [sflag:s5], $0x7D0  }
0x2d: {  	[sflag:s5] =	ssyncset.done $0x0  }
0x2e: {  	[sflag:s5] =	ssyncadd.s32 $0xFFFFF830  }
0x2f: {  	[spmem:s2] =	stream.indirect.scatter.add.f32 [tilespmem:s6], [sflag:$0x1], $0x1, s3, s11, $0xb8;
	[tilespmem:$0x1280] =	vst v63  }
0x30: {  	_ =	swait.ge [sflag:s5], $0x7D0  }
0x31: {  	[sflag:s5] =	ssyncset.done $0x0  }
0x32: {  	s15 =	sadd.s32 $0xD5E8, s15;
	[sflag:s5] =	ssyncadd.s32 $0xFFFFF830  }
0x33: {  	[tilespmem:s3], [sflag:$0x1] =	stream.linear.gather [hbm4b:s15+s3], $0x7D0, $0x38;
	[tilespmem:$0x1280] =	vst v63  }
0x34: {  	s18 =	ssub.s32 $0x2, s17;
	_ =	swait.ge [sflag:s5], $0x7D0  }
0x35: {  	s19 =	smul.u32 $0x500, s1;
	s31 =	sshrl.u32 s18, $0x1;
	[sflag:s5] =	ssyncset.done $0x0  }
0x36: {  	s17 =	sshll.u32 s17, $0x7;
	s18 =	ssub.s32 s18, s31;
	[sflag:s5] =	ssyncadd.s32 $0xFFFFF830  }
0x37: {  	[spmem:s2] =	stream.indirect.scatter.add.f32 [tilespmem:s6], [sflag:$0x1], $0x1, s3, s11, $0xb8;
	[tilespmem:$0x1280] =	vst v63  }
0x38: {  	s17 =	sor.u32 s17, s19;
	s19 =	smax.u32 s18, $0x1;
	_ =	swait.ge [sflag:s5], $0x7D0  }
0x39: {  	s17 =	sshrl.u32 s17, $0x3;
	p0 =	sne.s32 s19, $0x1;
	[sflag:s5] =	ssyncset.done $0x0  }
.Ltmp0:
0x3a: {  	s16 =	sadd.s32 s16, s17;
	[sflag:s5] =	ssyncadd.s32 $0xFFFFF830;
	(pc) =	sbr.rel @!p0 .LBB2_2-.Ltmp0, $4  }
0x3b: {  	s17 =	simm.s32 $0x20;
	s18 =	simm.s32 $0x10;
	[bflag:$0x0] =	sbarrier.arrive $0xFFFF  }
0x3c: {  	[hbm:s16@s17], [sflag:s8] =	dma.strided [spmem:s9@s18], $0x50, s5, $0x10   }
0x3d: {  	_ =	swait.ge [sflag:s5], $0x50  }
0x3e: {  	s19 =	sadd.s32 $0xFFFFFFFF, s19;
	[sflag:s5] =	ssyncset.done $0x0  }
.LBB2_1:
0x3f: {  	p0 =	sne.s32 s19, $0x1;
	s19 =	sadd.s32 $0xFFFFFFFF, s19;
	[sflag:s5] =	ssyncadd.s32 $0xFFFFFFB0  }
0x40: {  	[tilespmem:s6], [sflag:$0x1] =	stream.linear.gather [hbm4b:s4+s3], $0x800, $0x38;
	[tilespmem:$0x1280] =	vst v63  }
0x41: {  	_ =	swait.ge [sflag:s5], $0x800  }
0x42: {  	[sflag:s5] =	ssyncset.done $0x0  }
0x43: {  	[sflag:s5] =	ssyncadd.s32 $0xFFFFF800  }
0x44: {  	[spmem:s9], [sflag:s8] =	dma.local [hbm:s7], $0x50  }
0x45: {  	_ =	swait.ge [sflag:s5], $0x50  }
0x46: {  	[sflag:s5] =	ssyncset.done $0x0  }
0x47: {  	[sflag:s5] =	ssyncadd.s32 $0xFFFFFFB0  }
0x48: {  	[bflag:$0x0] =	sbarrier.arrive $0xFFFF  }
0x49: {  	[tilespmem:s3], [sflag:$0x1] =	stream.linear.gather [hbm4b:s10+s3], $0x7D0, $0x38;
	[tilespmem:$0x1280] =	vst v63  }
0x4a: {  	_ =	swait.ge [sflag:s5], $0x7D0  }
0x4b: {  	[sflag:s5] =	ssyncset.done $0x0  }
0x4c: {  	[sflag:s5] =	ssyncadd.s32 $0xFFFFF830  }
0x4d: {  	[spmem:s2] =	stream.indirect.scatter.add.f32 [tilespmem:s6], [sflag:$0x1], $0x1, s3, s11, $0xb8;
	[tilespmem:$0x1280] =	vst v63  }
0x4e: {  	_ =	swait.ge [sflag:s5], $0x7D0  }
0x4f: {  	[sflag:s5] =	ssyncset.done $0x0  }
0x50: {  	[sflag:s5] =	ssyncadd.s32 $0xFFFFF830  }
0x51: {  	[tilespmem:s3], [sflag:$0x1] =	stream.linear.gather [hbm4b:s12+s3], $0x7D0, $0x38;
	[tilespmem:$0x1280] =	vst v63  }
0x52: {  	_ =	swait.ge [sflag:s5], $0x7D0  }
0x53: {  	[sflag:s5] =	ssyncset.done $0x0  }
0x54: {  	[sflag:s5] =	ssyncadd.s32 $0xFFFFF830  }
0x55: {  	[spmem:s2] =	stream.indirect.scatter.add.f32 [tilespmem:s6], [sflag:$0x1], $0x1, s3, s11, $0xb8;
	[tilespmem:$0x1280] =	vst v63  }
0x56: {  	_ =	swait.ge [sflag:s5], $0x7D0  }
0x57: {  	[sflag:s5] =	ssyncset.done $0x0  }
0x58: {  	[sflag:s5] =	ssyncadd.s32 $0xFFFFF830  }
0x59: {  	[tilespmem:s3], [sflag:$0x1] =	stream.linear.gather [hbm4b:s13+s3], $0x7D0, $0x38;
	[tilespmem:$0x1280] =	vst v63  }
0x5a: {  	_ =	swait.ge [sflag:s5], $0x7D0  }
0x5b: {  	[sflag:s5] =	ssyncset.done $0x0  }
0x5c: {  	[sflag:s5] =	ssyncadd.s32 $0xFFFFF830  }
0x5d: {  	[spmem:s2] =	stream.indirect.scatter.add.f32 [tilespmem:s6], [sflag:$0x1], $0x1, s3, s11, $0xb8;
	[tilespmem:$0x1280] =	vst v63  }
0x5e: {  	_ =	swait.ge [sflag:s5], $0x7D0  }
0x5f: {  	[sflag:s5] =	ssyncset.done $0x0  }
0x60: {  	[sflag:s5] =	ssyncadd.s32 $0xFFFFF830  }
0x61: {  	[tilespmem:s3], [sflag:$0x1] =	stream.linear.gather [hbm4b:s14+s3], $0x7D0, $0x38;
	[tilespmem:$0x1280] =	vst v63  }
0x62: {  	_ =	swait.ge [sflag:s5], $0x7D0  }
0x63: {  	[sflag:s5] =	ssyncset.done $0x0  }
0x64: {  	[sflag:s5] =	ssyncadd.s32 $0xFFFFF830  }
0x65: {  	[spmem:s2] =	stream.indirect.scatter.add.f32 [tilespmem:s6], [sflag:$0x1], $0x1, s3, s11, $0xb8;
	[tilespmem:$0x1280] =	vst v63  }
0x66: {  	_ =	swait.ge [sflag:s5], $0x7D0  }
0x67: {  	[sflag:s5] =	ssyncset.done $0x0  }
0x68: {  	[sflag:s5] =	ssyncadd.s32 $0xFFFFF830  }
0x69: {  	[tilespmem:s3], [sflag:$0x1] =	stream.linear.gather [hbm4b:s15+s3], $0x7D0, $0x38;
	[tilespmem:$0x1280] =	vst v63  }
0x6a: {  	_ =	swait.ge [sflag:s5], $0x7D0  }
0x6b: {  	[sflag:s5] =	ssyncset.done $0x0  }
0x6c: {  	[sflag:s5] =	ssyncadd.s32 $0xFFFFF830  }
0x6d: {  	[spmem:s2] =	stream.indirect.scatter.add.f32 [tilespmem:s6], [sflag:$0x1], $0x1, s3, s11, $0xb8;
	[tilespmem:$0x1280] =	vst v63  }
0x6e: {  	_ =	swait.ge [sflag:s5], $0x7D0  }
0x6f: {  	[sflag:s5] =	ssyncset.done $0x0  }
.Ltmp1:
0x70: {  	[sflag:s5] =	ssyncadd.s32 $0xFFFFF830;
	(pc) =	sbr.rel @p0 .LBB2_1-.Ltmp1, $4  }
0x71: {  	[bflag:$0x0] =	sbarrier.arrive $0xFFFF  }
0x72: {  	[hbm:s16@s17], [sflag:s8] =	dma.strided [spmem:s9@s18], $0x50, s5, $0x10   }
0x73: {  	_ =	swait.ge [sflag:s5], $0x50  }
0x74: {  	[sflag:s5] =	ssyncset.done $0x0  }
.LBB2_2:
0x75: {  	[sflag:s5] =	ssyncadd.s32 $0xFFFFFFB0  }
0x76: {  	_ =	sfence.sel $0x180000  }
0x77: {  	[bflag:$0x0] =	sbarrier.arrive $0xFFFF  }
0x78: {  	p0 =	sne.s32 s1, $0x0;
	_ =	strace $0x90000047  }
0x79: {  	s0 =	sadd.s32 @!p0 $0x100000, s0;
	[bflag:$0x2] =	sbarrier.arrive $0xFFFF  }
0x7a: {  	[sflag:s0] =	ssyncadd.tile.s32 @!p0 $0x1;
	_ =	shalt  }
.Lfunc_end2:
_tile_overlayer_lowered:
.L_overlay_start_2:
0x7b: {  	(tag) =	ssettag $0x2  }
0x7c: {  	s0 =	rddreg [dreg:$0x0];
	s2 =	stileid.u32  }
0x7d: {  	s1 =	rddreg [dreg:$0x1];
	p0 =	sne.s32 s2, $0x0  }
0x7e: {  	s3 =	rddreg [dreg:$0x2];
	[bflag:$0x3] =	sbarrier.arrive $0xFFFF;
	s2 =	simm.s32 @!p0 $0x1C01  }
0x7f: {  	[timem:s3], [sflag:s2] =	dma.local @!p0 [hbm:s0], s1  }
0x80: {  	s0 =	simm.s32 @!p0 $0x1  }
0x81: {  	_ =	swait.ge @!p0 [sflag:s0], s1  }
0x82: {  	s1 =	ssub.s32 @!p0 $0x0, s1;
	[sflag:s0] =	ssyncset.done @!p0 $0x0  }
0x83: {  	[sflag:s0] =	ssyncadd.s32 @!p0 s1  }
0x84: {  	[bflag:$0x3] =	sbarrier.arrive $0xFFFF  }
0x85: {  	_ =	shalt  }

</sc_bundles>
